<compile_context>
chip_gen: v7x
topology: tpu7x:2x2x1
jax: 0.10.2.dev20260603
libtpu: 0.0.44.dev20260713+nightly
codegen_flags: <defaults>
</compile_context>

<pallas_src>
import jax
import jax.numpy as jnp
from jax import lax
from jax.experimental import pallas as pl
from jax.experimental.pallas import tpu as pltpu
from jax.experimental.pallas import tpu_sc as plsc

_CHUNK = 80
_NCH = 10000 // _CHUNK
_NSUB = 16


def _sc_copy_kernel(h_hbm, c_hbm, ho_hbm, co_hbm, buf):
    cid = lax.axis_index("c")
    sid = lax.axis_index("s")
    for j in range(8):
        chunk = sid + j * _NSUB

        @pl.when(chunk < _NCH)
        def _(chunk=chunk):
            sl = pl.ds(chunk * _CHUNK, _CHUNK)

            @pl.when(cid == 0)
            def _():
                pltpu.sync_copy(h_hbm.at[sl, :], buf)
                pltpu.sync_copy(buf, ho_hbm.at[sl, :])

            @pl.when(cid == 1)
            def _():
                pltpu.sync_copy(c_hbm.at[sl, :], buf)
                pltpu.sync_copy(buf, co_hbm.at[sl, :])


def kernel(X, edge_index, edge_weight, H, C, W_xi, b_xi, W_hi, b_hi, w_ci, b_i):
    n, d = H.shape
    mesh = plsc.VectorSubcoreMesh(core_axis_name="c", subcore_axis_name="s")
    import functools
    k = functools.partial(
        pl.kernel,
        mesh=mesh,
        out_type=[
            jax.ShapeDtypeStruct((n, d), H.dtype),
            jax.ShapeDtypeStruct((n, d), C.dtype),
        ],
        scratch_types=[pltpu.VMEM((_CHUNK, d), jnp.float32)],
    )(_sc_copy_kernel)
    h_out, c_out = k(H, C)
    return (h_out, c_out)

# --- scband reference (transcript-rebuilt; emitter-appended) ---
"""Pipeline reference for scband-gconv-lstm-70093866270925 (READ-ONLY COPY).

The authoritative reference and input builder live on the scoring server;
editing this copy changes nothing except your own understanding.
"""

import jax, jax.numpy as jnp
import numpy as np

N = 10000
E = 160000
IN_CH = 256
OUT_CH = 256
K = 3


def _glorot(key, shape):
    fan_in, fan_out = shape[-2], shape[-1]
    stdv = float(np.sqrt(6.0 / (fan_in + fan_out)))
    return jax.random.uniform(key, shape, minval=-stdv, maxval=stdv, dtype=jnp.float32)


def setup_inputs(seed: int = 0) -> dict:
    key = jax.random.key(seed)
    ks = jax.random.split(key, 10)
    X = jax.random.normal(ks[0], (N, IN_CH), dtype=jnp.float32)
    edge_index = jax.random.randint(ks[1], (2, E), 0, N, dtype=jnp.int64) if jax.config.jax_enable_x64 else jax.random.randint(ks[1], (2, E), 0, N).astype(jnp.int32)
    edge_weight = jax.random.uniform(ks[2], (E,), dtype=jnp.float32)
    H = jax.random.normal(ks[3], (N, OUT_CH), dtype=jnp.float32)
    C = jax.random.normal(ks[4], (N, OUT_CH), dtype=jnp.float32)
    W_xi = _glorot(ks[5], (K, IN_CH, OUT_CH))
    b_xi = jnp.zeros((OUT_CH,), dtype=jnp.float32)
    W_hi = _glorot(ks[6], (K, OUT_CH, OUT_CH))
    b_hi = jnp.zeros((OUT_CH,), dtype=jnp.float32)
    w_ci = _glorot(ks[7], (N, OUT_CH))
    b_i = jnp.zeros((1, OUT_CH), dtype=jnp.float32)
    return {"X": X, "edge_index": edge_index, "edge_weight": edge_weight, "H": H, "C": C,
            "W_xi": W_xi, "b_xi": b_xi, "W_hi": W_hi, "b_hi": b_hi, "w_ci": w_ci, "b_i": b_i}


def _cheb_conv(x, src, dst, edge_weight, W, b, n):
    # PyG ChebConv with sym normalization and lambda_max=2.0:
    # scaled Laplacian L_hat = -D^{-1/2} A D^{-1/2} (diagonal cancels)
    deg = jax.ops.segment_sum(edge_weight, src, num_segments=n)
    deg_inv_sqrt = jnp.where(deg > 0, jax.lax.rsqrt(jnp.where(deg > 0, deg, 1.0)), 0.0)
    norm = -deg_inv_sqrt[src] * edge_weight * deg_inv_sqrt[dst]

    def prop(t):
        return jax.ops.segment_sum(t[src] * norm[:, None], dst, num_segments=n)

    Tx_0 = x
    out = Tx_0 @ W[0]
    Tx_1 = prop(Tx_0)
    out = out + Tx_1 @ W[1]
    for k in range(2, W.shape[0]):
        Tx_2 = 2.0 * prop(Tx_1) - Tx_0
        out = out + Tx_2 @ W[k]
        Tx_0, Tx_1 = Tx_1, Tx_2
    return out + b


def reference(X, edge_index, edge_weight, H, C, W_xi, b_xi, W_hi, b_hi, w_ci, b_i):
    src = edge_index[0]
    dst = edge_index[1]
    # calculate_input_gate (computed faithfully, like the torch module)
    I = _cheb_conv(X, src, dst, edge_weight, W_xi, b_xi, N)
    I = I + _cheb_conv(H, src, dst, edge_weight, W_hi, b_hi, N)
    I = I + w_ci * C
    I = I + b_i
    I = jax.nn.sigmoid(I)
    # the torch module returns (H, C)
    return (H, C)

if __name__ == "__main__":
    import jax
    _d = setup_inputs()
    print(jax.jit(kernel)(*tuple(_d.values())))

</pallas_src>

<mosaic_0001>
#map = affine_map<(d0, d1) -> (0, 0)>
module attributes {stable_mosaic.version = 14 : i64} {
  func.func @_sc_copy_kernel(%arg0: i32, %arg1: i32, %arg2: memref<10000x256xf32, #tpu.memory_space<hbm>>, %arg3: memref<10000x256xf32, #tpu.memory_space<hbm>>, %arg4: memref<10000x256xf32, #tpu.memory_space<hbm>>, %arg5: memref<10000x256xf32, #tpu.memory_space<hbm>>, %arg6: memref<80x256xf32, #tpu.memory_space<vmem>>) attributes {dimension_semantics = [#tpu.dimension_semantics<core_parallel>, #tpu.dimension_semantics<subcore_parallel>], iteration_bounds = array<i64: 2, 16>, scalar_prefetch = 0 : i64, scratch_operands = 1 : i64, tpu.core_type = #tpu.core_type<sc_vector_subcore>, window_params = [{transform_indices = #map}, {transform_indices = #map}, {transform_indices = #map}, {transform_indices = #map}]} {
    %add3A = arith.constant 0 : i32
    %add3A_0 = arith.addi %arg1, %add3A : i32
    %lt3A = arith.constant 125 : i32
    %lt3A_1 = arith.cmpi slt, %add3A_0, %lt3A : i32
    %convert_element_type3A = arith.extui %lt3A_1 : i1 to i32
    %cond3A = arith.constant 0 : i32
    %cond3A_2 = arith.cmpi ne, %convert_element_type3A, %cond3A : i32
    scf.if %cond3A_2 {
      %mul3A = arith.constant 80 : i32
      %mul3A_52 = arith.muli %add3A_0, %mul3A : i32
      %eq3A = arith.constant 0 : i32
      %eq3A_53 = arith.cmpi eq, %arg0, %eq3A : i32
      %convert_element_type3A_54 = arith.extui %eq3A_53 : i1 to i32
      %cond3A_55 = arith.constant 0 : i32
      %cond3A_56 = arith.cmpi ne, %convert_element_type3A_54, %cond3A_55 : i32
      scf.if %cond3A_56 {
        "tpu.region"() ({
          %run_scoped3A = tpu.sem_alloc : memref<!tpu.dma_semaphore, #tpu.memory_space<semaphore_mem>>
          %dma_start3A = arith.constant 0 : i32
          %dma_start3A_62 = tpu.memref_slice %arg2[%mul3A_52, %dma_start3A] : memref<10000x256xf32, #tpu.memory_space<hbm>> -> memref<80x256xf32, #tpu.memory_space<hbm>>
          %dma_start3A_63 = arith.constant 0 : i32
          %dma_start3A_64 = tpu.memref_slice %arg2[%mul3A_52, %dma_start3A_63] : memref<10000x256xf32, #tpu.memory_space<hbm>> -> memref<80x256xf32, #tpu.memory_space<hbm>>
          tpu.enqueue_dma source(%dma_start3A_64 : memref<80x256xf32, #tpu.memory_space<hbm>>) target(%arg6 : memref<80x256xf32, #tpu.memory_space<vmem>>) target_semaphore(%run_scoped3A : memref<!tpu.dma_semaphore, #tpu.memory_space<semaphore_mem>>)
          %dma_wait3A = arith.constant 0 : i32
          %dma_wait3A_65 = tpu.memref_slice %arg2[%mul3A_52, %dma_wait3A] : memref<10000x256xf32, #tpu.memory_space<hbm>> -> memref<80x256xf32, #tpu.memory_space<hbm>>
          %dma_wait3A_66 = arith.constant 0 : i32
          %dma_wait3A_67 = tpu.memref_slice %arg2[%mul3A_52, %dma_wait3A_66] : memref<10000x256xf32, #tpu.memory_space<hbm>> -> memref<80x256xf32, #tpu.memory_space<hbm>>
          tpu.wait_dma2 semaphore(%run_scoped3A : memref<!tpu.dma_semaphore, #tpu.memory_space<semaphore_mem>>) src(%dma_wait3A_67 : memref<80x256xf32, #tpu.memory_space<hbm>>) dst(%arg6 : memref<80x256xf32, #tpu.memory_space<vmem>>)
          tpu.yield
        }) : () -> ()
        "tpu.region"() ({
          %run_scoped3A = tpu.sem_alloc : memref<!tpu.dma_semaphore, #tpu.memory_space<semaphore_mem>>
          %dma_start3A = arith.constant 0 : i32
          %dma_start3A_62 = tpu.memref_slice %arg4[%mul3A_52, %dma_start3A] : memref<10000x256xf32, #tpu.memory_space<hbm>> -> memref<80x256xf32, #tpu.memory_space<hbm>>
          %dma_start3A_63 = arith.constant 0 : i32
          %dma_start3A_64 = tpu.memref_slice %arg4[%mul3A_52, %dma_start3A_63] : memref<10000x256xf32, #tpu.memory_space<hbm>> -> memref<80x256xf32, #tpu.memory_space<hbm>>
          tpu.enqueue_dma source(%arg6 : memref<80x256xf32, #tpu.memory_space<vmem>>) target(%dma_start3A_64 : memref<80x256xf32, #tpu.memory_space<hbm>>) target_semaphore(%run_scoped3A : memref<!tpu.dma_semaphore, #tpu.memory_space<semaphore_mem>>)
          %dma_wait3A = arith.constant 0 : i32
          %dma_wait3A_65 = tpu.memref_slice %arg4[%mul3A_52, %dma_wait3A] : memref<10000x256xf32, #tpu.memory_space<hbm>> -> memref<80x256xf32, #tpu.memory_space<hbm>>
          %dma_wait3A_66 = arith.constant 0 : i32
          %dma_wait3A_67 = tpu.memref_slice %arg4[%mul3A_52, %dma_wait3A_66] : memref<10000x256xf32, #tpu.memory_space<hbm>> -> memref<80x256xf32, #tpu.memory_space<hbm>>
          tpu.wait_dma2 semaphore(%run_scoped3A : memref<!tpu.dma_semaphore, #tpu.memory_space<semaphore_mem>>) src(%arg6 : memref<80x256xf32, #tpu.memory_space<vmem>>) dst(%dma_wait3A_67 : memref<80x256xf32, #tpu.memory_space<hbm>>)
          tpu.yield
        }) : () -> ()
      } else {
      }
      %eq3A_57 = arith.constant 1 : i32
      %eq3A_58 = arith.cmpi eq, %arg0, %eq3A_57 : i32
      %convert_element_type3A_59 = arith.extui %eq3A_58 : i1 to i32
      %cond3A_60 = arith.constant 0 : i32
      %cond3A_61 = arith.cmpi ne, %convert_element_type3A_59, %cond3A_60 : i32
      scf.if %cond3A_61 {
        "tpu.region"() ({
          %run_scoped3A = tpu.sem_alloc : memref<!tpu.dma_semaphore, #tpu.memory_space<semaphore_mem>>
          %dma_start3A = arith.constant 0 : i32
          %dma_start3A_62 = tpu.memref_slice %arg3[%mul3A_52, %dma_start3A] : memref<10000x256xf32, #tpu.memory_space<hbm>> -> memref<80x256xf32, #tpu.memory_space<hbm>>
          %dma_start3A_63 = arith.constant 0 : i32
          %dma_start3A_64 = tpu.memref_slice %arg3[%mul3A_52, %dma_start3A_63] : memref<10000x256xf32, #tpu.memory_space<hbm>> -> memref<80x256xf32, #tpu.memory_space<hbm>>
          tpu.enqueue_dma source(%dma_start3A_64 : memref<80x256xf32, #tpu.memory_space<hbm>>) target(%arg6 : memref<80x256xf32, #tpu.memory_space<vmem>>) target_semaphore(%run_scoped3A : memref<!tpu.dma_semaphore, #tpu.memory_space<semaphore_mem>>)
          %dma_wait3A = arith.constant 0 : i32
          %dma_wait3A_65 = tpu.memref_slice %arg3[%mul3A_52, %dma_wait3A] : memref<10000x256xf32, #tpu.memory_space<hbm>> -> memref<80x256xf32, #tpu.memory_space<hbm>>
          %dma_wait3A_66 = arith.constant 0 : i32
          %dma_wait3A_67 = tpu.memref_slice %arg3[%mul3A_52, %dma_wait3A_66] : memref<10000x256xf32, #tpu.memory_space<hbm>> -> memref<80x256xf32, #tpu.memory_space<hbm>>
          tpu.wait_dma2 semaphore(%run_scoped3A : memref<!tpu.dma_semaphore, #tpu.memory_space<semaphore_mem>>) src(%dma_wait3A_67 : memref<80x256xf32, #tpu.memory_space<hbm>>) dst(%arg6 : memref<80x256xf32, #tpu.memory_space<vmem>>)
          tpu.yield
        }) : () -> ()
        "tpu.region"() ({
          %run_scoped3A = tpu.sem_alloc : memref<!tpu.dma_semaphore, #tpu.memory_space<semaphore_mem>>
          %dma_start3A = arith.constant 0 : i32
          %dma_start3A_62 = tpu.memref_slice %arg5[%mul3A_52, %dma_start3A] : memref<10000x256xf32, #tpu.memory_space<hbm>> -> memref<80x256xf32, #tpu.memory_space<hbm>>
          %dma_start3A_63 = arith.constant 0 : i32
          %dma_start3A_64 = tpu.memref_slice %arg5[%mul3A_52, %dma_start3A_63] : memref<10000x256xf32, #tpu.memory_space<hbm>> -> memref<80x256xf32, #tpu.memory_space<hbm>>
          tpu.enqueue_dma source(%arg6 : memref<80x256xf32, #tpu.memory_space<vmem>>) target(%dma_start3A_64 : memref<80x256xf32, #tpu.memory_space<hbm>>) target_semaphore(%run_scoped3A : memref<!tpu.dma_semaphore, #tpu.memory_space<semaphore_mem>>)
          %dma_wait3A = arith.constant 0 : i32
          %dma_wait3A_65 = tpu.memref_slice %arg5[%mul3A_52, %dma_wait3A] : memref<10000x256xf32, #tpu.memory_space<hbm>> -> memref<80x256xf32, #tpu.memory_space<hbm>>
          %dma_wait3A_66 = arith.constant 0 : i32
          %dma_wait3A_67 = tpu.memref_slice %arg5[%mul3A_52, %dma_wait3A_66] : memref<10000x256xf32, #tpu.memory_space<hbm>> -> memref<80x256xf32, #tpu.memory_space<hbm>>
          tpu.wait_dma2 semaphore(%run_scoped3A : memref<!tpu.dma_semaphore, #tpu.memory_space<semaphore_mem>>) src(%arg6 : memref<80x256xf32, #tpu.memory_space<vmem>>) dst(%dma_wait3A_67 : memref<80x256xf32, #tpu.memory_space<hbm>>)
          tpu.yield
        }) : () -> ()
      } else {
      }
    } else {
    }
    %add3A_3 = arith.constant 16 : i32
    %add3A_4 = arith.addi %arg1, %add3A_3 : i32
    %lt3A_5 = arith.constant 125 : i32
    %lt3A_6 = arith.cmpi slt, %add3A_4, %lt3A_5 : i32
    %convert_element_type3A_7 = arith.extui %lt3A_6 : i1 to i32
    %cond3A_8 = arith.constant 0 : i32
    %cond3A_9 = arith.cmpi ne, %convert_element_type3A_7, %cond3A_8 : i32
    scf.if %cond3A_9 {
      %mul3A = arith.constant 80 : i32
      %mul3A_52 = arith.muli %add3A_4, %mul3A : i32
      %eq3A = arith.constant 0 : i32
      %eq3A_53 = arith.cmpi eq, %arg0, %eq3A : i32
      %convert_element_type3A_54 = arith.extui %eq3A_53 : i1 to i32
      %cond3A_55 = arith.constant 0 : i32
      %cond3A_56 = arith.cmpi ne, %convert_element_type3A_54, %cond3A_55 : i32
      scf.if %cond3A_56 {
        "tpu.region"() ({
          %run_scoped3A = tpu.sem_alloc : memref<!tpu.dma_semaphore, #tpu.memory_space<semaphore_mem>>
          %dma_start3A = arith.constant 0 : i32
          %dma_start3A_62 = tpu.memref_slice %arg2[%mul3A_52, %dma_start3A] : memref<10000x256xf32, #tpu.memory_space<hbm>> -> memref<80x256xf32, #tpu.memory_space<hbm>>
          %dma_start3A_63 = arith.constant 0 : i32
          %dma_start3A_64 = tpu.memref_slice %arg2[%mul3A_52, %dma_start3A_63] : memref<10000x256xf32, #tpu.memory_space<hbm>> -> memref<80x256xf32, #tpu.memory_space<hbm>>
          tpu.enqueue_dma source(%dma_start3A_64 : memref<80x256xf32, #tpu.memory_space<hbm>>) target(%arg6 : memref<80x256xf32, #tpu.memory_space<vmem>>) target_semaphore(%run_scoped3A : memref<!tpu.dma_semaphore, #tpu.memory_space<semaphore_mem>>)
          %dma_wait3A = arith.constant 0 : i32
          %dma_wait3A_65 = tpu.memref_slice %arg2[%mul3A_52, %dma_wait3A] : memref<10000x256xf32, #tpu.memory_space<hbm>> -> memref<80x256xf32, #tpu.memory_space<hbm>>
          %dma_wait3A_66 = arith.constant 0 : i32
          %dma_wait3A_67 = tpu.memref_slice %arg2[%mul3A_52, %dma_wait3A_66] : memref<10000x256xf32, #tpu.memory_space<hbm>> -> memref<80x256xf32, #tpu.memory_space<hbm>>
          tpu.wait_dma2 semaphore(%run_scoped3A : memref<!tpu.dma_semaphore, #tpu.memory_space<semaphore_mem>>) src(%dma_wait3A_67 : memref<80x256xf32, #tpu.memory_space<hbm>>) dst(%arg6 : memref<80x256xf32, #tpu.memory_space<vmem>>)
          tpu.yield
        }) : () -> ()
        "tpu.region"() ({
          %run_scoped3A = tpu.sem_alloc : memref<!tpu.dma_semaphore, #tpu.memory_space<semaphore_mem>>
          %dma_start3A = arith.constant 0 : i32
          %dma_start3A_62 = tpu.memref_slice %arg4[%mul3A_52, %dma_start3A] : memref<10000x256xf32, #tpu.memory_space<hbm>> -> memref<80x256xf32, #tpu.memory_space<hbm>>
          %dma_start3A_63 = arith.constant 0 : i32
          %dma_start3A_64 = tpu.memref_slice %arg4[%mul3A_52, %dma_start3A_63] : memref<10000x256xf32, #tpu.memory_space<hbm>> -> memref<80x256xf32, #tpu.memory_space<hbm>>
          tpu.enqueue_dma source(%arg6 : memref<80x256xf32, #tpu.memory_space<vmem>>) target(%dma_start3A_64 : memref<80x256xf32, #tpu.memory_space<hbm>>) target_semaphore(%run_scoped3A : memref<!tpu.dma_semaphore, #tpu.memory_space<semaphore_mem>>)
          %dma_wait3A = arith.constant 0 : i32
          %dma_wait3A_65 = tpu.memref_slice %arg4[%mul3A_52, %dma_wait3A] : memref<10000x256xf32, #tpu.memory_space<hbm>> -> memref<80x256xf32, #tpu.memory_space<hbm>>
          %dma_wait3A_66 = arith.constant 0 : i32
          %dma_wait3A_67 = tpu.memref_slice %arg4[%mul3A_52, %dma_wait3A_66] : memref<10000x256xf32, #tpu.memory_space<hbm>> -> memref<80x256xf32, #tpu.memory_space<hbm>>
          tpu.wait_dma2 semaphore(%run_scoped3A : memref<!tpu.dma_semaphore, #tpu.memory_space<semaphore_mem>>) src(%arg6 : memref<80x256xf32, #tpu.memory_space<vmem>>) dst(%dma_wait3A_67 : memref<80x256xf32, #tpu.memory_space<hbm>>)
          tpu.yield
        }) : () -> ()
      } else {
      }
      %eq3A_57 = arith.constant 1 : i32
      %eq3A_58 = arith.cmpi eq, %arg0, %eq3A_57 : i32
      %convert_element_type3A_59 = arith.extui %eq3A_58 : i1 to i32
      %cond3A_60 = arith.constant 0 : i32
      %cond3A_61 = arith.cmpi ne, %convert_element_type3A_59, %cond3A_60 : i32
      scf.if %cond3A_61 {
        "tpu.region"() ({
          %run_scoped3A = tpu.sem_alloc : memref<!tpu.dma_semaphore, #tpu.memory_space<semaphore_mem>>
          %dma_start3A = arith.constant 0 : i32
          %dma_start3A_62 = tpu.memref_slice %arg3[%mul3A_52, %dma_start3A] : memref<10000x256xf32, #tpu.memory_space<hbm>> -> memref<80x256xf32, #tpu.memory_space<hbm>>
          %dma_start3A_63 = arith.constant 0 : i32
          %dma_start3A_64 = tpu.memref_slice %arg3[%mul3A_52, %dma_start3A_63] : memref<10000x256xf32, #tpu.memory_space<hbm>> -> memref<80x256xf32, #tpu.memory_space<hbm>>
          tpu.enqueue_dma source(%dma_start3A_64 : memref<80x256xf32, #tpu.memory_space<hbm>>) target(%arg6 : memref<80x256xf32, #tpu.memory_space<vmem>>) target_semaphore(%run_scoped3A : memref<!tpu.dma_semaphore, #tpu.memory_space<semaphore_mem>>)
          %dma_wait3A = arith.constant 0 : i32
          %dma_wait3A_65 = tpu.memref_slice %arg3[%mul3A_52, %dma_wait3A] : memref<10000x256xf32, #tpu.memory_space<hbm>> -> memref<80x256xf32, #tpu.memory_space<hbm>>
          %dma_wait3A_66 = arith.constant 0 : i32
          %dma_wait3A_67 = tpu.memref_slice %arg3[%mul3A_52, %dma_wait3A_66] : memref<10000x256xf32, #tpu.memory_space<hbm>> -> memref<80x256xf32, #tpu.memory_space<hbm>>
          tpu.wait_dma2 semaphore(%run_scoped3A : memref<!tpu.dma_semaphore, #tpu.memory_space<semaphore_mem>>) src(%dma_wait3A_67 : memref<80x256xf32, #tpu.memory_space<hbm>>) dst(%arg6 : memref<80x256xf32, #tpu.memory_space<vmem>>)
          tpu.yield
        }) : () -> ()
        "tpu.region"() ({
          %run_scoped3A = tpu.sem_alloc : memref<!tpu.dma_semaphore, #tpu.memory_space<semaphore_mem>>
          %dma_start3A = arith.constant 0 : i32
          %dma_start3A_62 = tpu.memref_slice %arg5[%mul3A_52, %dma_start3A] : memref<10000x256xf32, #tpu.memory_space<hbm>> -> memref<80x256xf32, #tpu.memory_space<hbm>>
          %dma_start3A_63 = arith.constant 0 : i32
          %dma_start3A_64 = tpu.memref_slice %arg5[%mul3A_52, %dma_start3A_63] : memref<10000x256xf32, #tpu.memory_space<hbm>> -> memref<80x256xf32, #tpu.memory_space<hbm>>
          tpu.enqueue_dma source(%arg6 : memref<80x256xf32, #tpu.memory_space<vmem>>) target(%dma_start3A_64 : memref<80x256xf32, #tpu.memory_space<hbm>>) target_semaphore(%run_scoped3A : memref<!tpu.dma_semaphore, #tpu.memory_space<semaphore_mem>>)
          %dma_wait3A = arith.constant 0 : i32
          %dma_wait3A_65 = tpu.memref_slice %arg5[%mul3A_52, %dma_wait3A] : memref<10000x256xf32, #tpu.memory_space<hbm>> -> memref<80x256xf32, #tpu.memory_space<hbm>>
          %dma_wait3A_66 = arith.constant 0 : i32
          %dma_wait3A_67 = tpu.memref_slice %arg5[%mul3A_52, %dma_wait3A_66] : memref<10000x256xf32, #tpu.memory_space<hbm>> -> memref<80x256xf32, #tpu.memory_space<hbm>>
          tpu.wait_dma2 semaphore(%run_scoped3A : memref<!tpu.dma_semaphore, #tpu.memory_space<semaphore_mem>>) src(%arg6 : memref<80x256xf32, #tpu.memory_space<vmem>>) dst(%dma_wait3A_67 : memref<80x256xf32, #tpu.memory_space<hbm>>)
          tpu.yield
        }) : () -> ()
      } else {
      }
    } else {
    }
    %add3A_10 = arith.constant 32 : i32
    %add3A_11 = arith.addi %arg1, %add3A_10 : i32
    %lt3A_12 = arith.constant 125 : i32
    %lt3A_13 = arith.cmpi slt, %add3A_11, %lt3A_12 : i32
    %convert_element_type3A_14 = arith.extui %lt3A_13 : i1 to i32
    %cond3A_15 = arith.constant 0 : i32
    %cond3A_16 = arith.cmpi ne, %convert_element_type3A_14, %cond3A_15 : i32
    scf.if %cond3A_16 {
      %mul3A = arith.constant 80 : i32
      %mul3A_52 = arith.muli %add3A_11, %mul3A : i32
      %eq3A = arith.constant 0 : i32
      %eq3A_53 = arith.cmpi eq, %arg0, %eq3A : i32
      %convert_element_type3A_54 = arith.extui %eq3A_53 : i1 to i32
      %cond3A_55 = arith.constant 0 : i32
      %cond3A_56 = arith.cmpi ne, %convert_element_type3A_54, %cond3A_55 : i32
      scf.if %cond3A_56 {
        "tpu.region"() ({
          %run_scoped3A = tpu.sem_alloc : memref<!tpu.dma_semaphore, #tpu.memory_space<semaphore_mem>>
          %dma_start3A = arith.constant 0 : i32
          %dma_start3A_62 = tpu.memref_slice %arg2[%mul3A_52, %dma_start3A] : memref<10000x256xf32, #tpu.memory_space<hbm>> -> memref<80x256xf32, #tpu.memory_space<hbm>>
          %dma_start3A_63 = arith.constant 0 : i32
          %dma_start3A_64 = tpu.memref_slice %arg2[%mul3A_52, %dma_start3A_63] : memref<10000x256xf32, #tpu.memory_space<hbm>> -> memref<80x256xf32, #tpu.memory_space<hbm>>
          tpu.enqueue_dma source(%dma_start3A_64 : memref<80x256xf32, #tpu.memory_space<hbm>>) target(%arg6 : memref<80x256xf32, #tpu.memory_space<vmem>>) target_semaphore(%run_scoped3A : memref<!tpu.dma_semaphore, #tpu.memory_space<semaphore_mem>>)
          %dma_wait3A = arith.constant 0 : i32
          %dma_wait3A_65 = tpu.memref_slice %arg2[%mul3A_52, %dma_wait3A] : memref<10000x256xf32, #tpu.memory_space<hbm>> -> memref<80x256xf32, #tpu.memory_space<hbm>>
          %dma_wait3A_66 = arith.constant 0 : i32
          %dma_wait3A_67 = tpu.memref_slice %arg2[%mul3A_52, %dma_wait3A_66] : memref<10000x256xf32, #tpu.memory_space<hbm>> -> memref<80x256xf32, #tpu.memory_space<hbm>>
          tpu.wait_dma2 semaphore(%run_scoped3A : memref<!tpu.dma_semaphore, #tpu.memory_space<semaphore_mem>>) src(%dma_wait3A_67 : memref<80x256xf32, #tpu.memory_space<hbm>>) dst(%arg6 : memref<80x256xf32, #tpu.memory_space<vmem>>)
          tpu.yield
        }) : () -> ()
        "tpu.region"() ({
          %run_scoped3A = tpu.sem_alloc : memref<!tpu.dma_semaphore, #tpu.memory_space<semaphore_mem>>
          %dma_start3A = arith.constant 0 : i32
          %dma_start3A_62 = tpu.memref_slice %arg4[%mul3A_52, %dma_start3A] : memref<10000x256xf32, #tpu.memory_space<hbm>> -> memref<80x256xf32, #tpu.memory_space<hbm>>
          %dma_start3A_63 = arith.constant 0 : i32
          %dma_start3A_64 = tpu.memref_slice %arg4[%mul3A_52, %dma_start3A_63] : memref<10000x256xf32, #tpu.memory_space<hbm>> -> memref<80x256xf32, #tpu.memory_space<hbm>>
          tpu.enqueue_dma source(%arg6 : memref<80x256xf32, #tpu.memory_space<vmem>>) target(%dma_start3A_64 : memref<80x256xf32, #tpu.memory_space<hbm>>) target_semaphore(%run_scoped3A : memref<!tpu.dma_semaphore, #tpu.memory_space<semaphore_mem>>)
          %dma_wait3A = arith.constant 0 : i32
          %dma_wait3A_65 = tpu.memref_slice %arg4[%mul3A_52, %dma_wait3A] : memref<10000x256xf32, #tpu.memory_space<hbm>> -> memref<80x256xf32, #tpu.memory_space<hbm>>
          %dma_wait3A_66 = arith.constant 0 : i32
          %dma_wait3A_67 = tpu.memref_slice %arg4[%mul3A_52, %dma_wait3A_66] : memref<10000x256xf32, #tpu.memory_space<hbm>> -> memref<80x256xf32, #tpu.memory_space<hbm>>
          tpu.wait_dma2 semaphore(%run_scoped3A : memref<!tpu.dma_semaphore, #tpu.memory_space<semaphore_mem>>) src(%arg6 : memref<80x256xf32, #tpu.memory_space<vmem>>) dst(%dma_wait3A_67 : memref<80x256xf32, #tpu.memory_space<hbm>>)
          tpu.yield
        }) : () -> ()
      } else {
      }
      %eq3A_57 = arith.constant 1 : i32
      %eq3A_58 = arith.cmpi eq, %arg0, %eq3A_57 : i32
      %convert_element_type3A_59 = arith.extui %eq3A_58 : i1 to i32
      %cond3A_60 = arith.constant 0 : i32
      %cond3A_61 = arith.cmpi ne, %convert_element_type3A_59, %cond3A_60 : i32
      scf.if %cond3A_61 {
        "tpu.region"() ({
          %run_scoped3A = tpu.sem_alloc : memref<!tpu.dma_semaphore, #tpu.memory_space<semaphore_mem>>
          %dma_start3A = arith.constant 0 : i32
          %dma_start3A_62 = tpu.memref_slice %arg3[%mul3A_52, %dma_start3A] : memref<10000x256xf32, #tpu.memory_space<hbm>> -> memref<80x256xf32, #tpu.memory_space<hbm>>
          %dma_start3A_63 = arith.constant 0 : i32
          %dma_start3A_64 = tpu.memref_slice %arg3[%mul3A_52, %dma_start3A_63] : memref<10000x256xf32, #tpu.memory_space<hbm>> -> memref<80x256xf32, #tpu.memory_space<hbm>>
          tpu.enqueue_dma source(%dma_start3A_64 : memref<80x256xf32, #tpu.memory_space<hbm>>) target(%arg6 : memref<80x256xf32, #tpu.memory_space<vmem>>) target_semaphore(%run_scoped3A : memref<!tpu.dma_semaphore, #tpu.memory_space<semaphore_mem>>)
          %dma_wait3A = arith.constant 0 : i32
          %dma_wait3A_65 = tpu.memref_slice %arg3[%mul3A_52, %dma_wait3A] : memref<10000x256xf32, #tpu.memory_space<hbm>> -> memref<80x256xf32, #tpu.memory_space<hbm>>
          %dma_wait3A_66 = arith.constant 0 : i32
          %dma_wait3A_67 = tpu.memref_slice %arg3[%mul3A_52, %dma_wait3A_66] : memref<10000x256xf32, #tpu.memory_space<hbm>> -> memref<80x256xf32, #tpu.memory_space<hbm>>
          tpu.wait_dma2 semaphore(%run_scoped3A : memref<!tpu.dma_semaphore, #tpu.memory_space<semaphore_mem>>) src(%dma_wait3A_67 : memref<80x256xf32, #tpu.memory_space<hbm>>) dst(%arg6 : memref<80x256xf32, #tpu.memory_space<vmem>>)
          tpu.yield
        }) : () -> ()
        "tpu.region"() ({
          %run_scoped3A = tpu.sem_alloc : memref<!tpu.dma_semaphore, #tpu.memory_space<semaphore_mem>>
          %dma_start3A = arith.constant 0 : i32
          %dma_start3A_62 = tpu.memref_slice %arg5[%mul3A_52, %dma_start3A] : memref<10000x256xf32, #tpu.memory_space<hbm>> -> memref<80x256xf32, #tpu.memory_space<hbm>>
          %dma_start3A_63 = arith.constant 0 : i32
          %dma_start3A_64 = tpu.memref_slice %arg5[%mul3A_52, %dma_start3A_63] : memref<10000x256xf32, #tpu.memory_space<hbm>> -> memref<80x256xf32, #tpu.memory_space<hbm>>
          tpu.enqueue_dma source(%arg6 : memref<80x256xf32, #tpu.memory_space<vmem>>) target(%dma_start3A_64 : memref<80x256xf32, #tpu.memory_space<hbm>>) target_semaphore(%run_scoped3A : memref<!tpu.dma_semaphore, #tpu.memory_space<semaphore_mem>>)
          %dma_wait3A = arith.constant 0 : i32
          %dma_wait3A_65 = tpu.memref_slice %arg5[%mul3A_52, %dma_wait3A] : memref<10000x256xf32, #tpu.memory_space<hbm>> -> memref<80x256xf32, #tpu.memory_space<hbm>>
          %dma_wait3A_66 = arith.constant 0 : i32
          %dma_wait3A_67 = tpu.memref_slice %arg5[%mul3A_52, %dma_wait3A_66] : memref<10000x256xf32, #tpu.memory_space<hbm>> -> memref<80x256xf32, #tpu.memory_space<hbm>>
          tpu.wait_dma2 semaphore(%run_scoped3A : memref<!tpu.dma_semaphore, #tpu.memory_space<semaphore_mem>>) src(%arg6 : memref<80x256xf32, #tpu.memory_space<vmem>>) dst(%dma_wait3A_67 : memref<80x256xf32, #tpu.memory_space<hbm>>)
          tpu.yield
        }) : () -> ()
      } else {
      }
    } else {
    }
    %add3A_17 = arith.constant 48 : i32
    %add3A_18 = arith.addi %arg1, %add3A_17 : i32
    %lt3A_19 = arith.constant 125 : i32
    %lt3A_20 = arith.cmpi slt, %add3A_18, %lt3A_19 : i32
    %convert_element_type3A_21 = arith.extui %lt3A_20 : i1 to i32
    %cond3A_22 = arith.constant 0 : i32
    %cond3A_23 = arith.cmpi ne, %convert_element_type3A_21, %cond3A_22 : i32
    scf.if %cond3A_23 {
      %mul3A = arith.constant 80 : i32
      %mul3A_52 = arith.muli %add3A_18, %mul3A : i32
      %eq3A = arith.constant 0 : i32
      %eq3A_53 = arith.cmpi eq, %arg0, %eq3A : i32
      %convert_element_type3A_54 = arith.extui %eq3A_53 : i1 to i32
      %cond3A_55 = arith.constant 0 : i32
      %cond3A_56 = arith.cmpi ne, %convert_element_type3A_54, %cond3A_55 : i32
      scf.if %cond3A_56 {
        "tpu.region"() ({
          %run_scoped3A = tpu.sem_alloc : memref<!tpu.dma_semaphore, #tpu.memory_space<semaphore_mem>>
          %dma_start3A = arith.constant 0 : i32
          %dma_start3A_62 = tpu.memref_slice %arg2[%mul3A_52, %dma_start3A] : memref<10000x256xf32, #tpu.memory_space<hbm>> -> memref<80x256xf32, #tpu.memory_space<hbm>>
          %dma_start3A_63 = arith.constant 0 : i32
          %dma_start3A_64 = tpu.memref_slice %arg2[%mul3A_52, %dma_start3A_63] : memref<10000x256xf32, #tpu.memory_space<hbm>> -> memref<80x256xf32, #tpu.memory_space<hbm>>
          tpu.enqueue_dma source(%dma_start3A_64 : memref<80x256xf32, #tpu.memory_space<hbm>>) target(%arg6 : memref<80x256xf32, #tpu.memory_space<vmem>>) target_semaphore(%run_scoped3A : memref<!tpu.dma_semaphore, #tpu.memory_space<semaphore_mem>>)
          %dma_wait3A = arith.constant 0 : i32
          %dma_wait3A_65 = tpu.memref_slice %arg2[%mul3A_52, %dma_wait3A] : memref<10000x256xf32, #tpu.memory_space<hbm>> -> memref<80x256xf32, #tpu.memory_space<hbm>>
          %dma_wait3A_66 = arith.constant 0 : i32
          %dma_wait3A_67 = tpu.memref_slice %arg2[%mul3A_52, %dma_wait3A_66] : memref<10000x256xf32, #tpu.memory_space<hbm>> -> memref<80x256xf32, #tpu.memory_space<hbm>>
          tpu.wait_dma2 semaphore(%run_scoped3A : memref<!tpu.dma_semaphore, #tpu.memory_space<semaphore_mem>>) src(%dma_wait3A_67 : memref<80x256xf32, #tpu.memory_space<hbm>>) dst(%arg6 : memref<80x256xf32, #tpu.memory_space<vmem>>)
          tpu.yield
        }) : () -> ()
        "tpu.region"() ({
          %run_scoped3A = tpu.sem_alloc : memref<!tpu.dma_semaphore, #tpu.memory_space<semaphore_mem>>
          %dma_start3A = arith.constant 0 : i32
          %dma_start3A_62 = tpu.memref_slice %arg4[%mul3A_52, %dma_start3A] : memref<10000x256xf32, #tpu.memory_space<hbm>> -> memref<80x256xf32, #tpu.memory_space<hbm>>
          %dma_start3A_63 = arith.constant 0 : i32
          %dma_start3A_64 = tpu.memref_slice %arg4[%mul3A_52, %dma_start3A_63] : memref<10000x256xf32, #tpu.memory_space<hbm>> -> memref<80x256xf32, #tpu.memory_space<hbm>>
          tpu.enqueue_dma source(%arg6 : memref<80x256xf32, #tpu.memory_space<vmem>>) target(%dma_start3A_64 : memref<80x256xf32, #tpu.memory_space<hbm>>) target_semaphore(%run_scoped3A : memref<!tpu.dma_semaphore, #tpu.memory_space<semaphore_mem>>)
          %dma_wait3A = arith.constant 0 : i32
          %dma_wait3A_65 = tpu.memref_slice %arg4[%mul3A_52, %dma_wait3A] : memref<10000x256xf32, #tpu.memory_space<hbm>> -> memref<80x256xf32, #tpu.memory_space<hbm>>
          %dma_wait3A_66 = arith.constant 0 : i32
          %dma_wait3A_67 = tpu.memref_slice %arg4[%mul3A_52, %dma_wait3A_66] : memref<10000x256xf32, #tpu.memory_space<hbm>> -> memref<80x256xf32, #tpu.memory_space<hbm>>
          tpu.wait_dma2 semaphore(%run_scoped3A : memref<!tpu.dma_semaphore, #tpu.memory_space<semaphore_mem>>) src(%arg6 : memref<80x256xf32, #tpu.memory_space<vmem>>) dst(%dma_wait3A_67 : memref<80x256xf32, #tpu.memory_space<hbm>>)
          tpu.yield
        }) : () -> ()
      } else {
      }
      %eq3A_57 = arith.constant 1 : i32
      %eq3A_58 = arith.cmpi eq, %arg0, %eq3A_57 : i32
      %convert_element_type3A_59 = arith.extui %eq3A_58 : i1 to i32
      %cond3A_60 = arith.constant 0 : i32
      %cond3A_61 = arith.cmpi ne, %convert_element_type3A_59, %cond3A_60 : i32
      scf.if %cond3A_61 {
        "tpu.region"() ({
          %run_scoped3A = tpu.sem_alloc : memref<!tpu.dma_semaphore, #tpu.memory_space<semaphore_mem>>
          %dma_start3A = arith.constant 0 : i32
          %dma_start3A_62 = tpu.memref_slice %arg3[%mul3A_52, %dma_start3A] : memref<10000x256xf32, #tpu.memory_space<hbm>> -> memref<80x256xf32, #tpu.memory_space<hbm>>
          %dma_start3A_63 = arith.constant 0 : i32
          %dma_start3A_64 = tpu.memref_slice %arg3[%mul3A_52, %dma_start3A_63] : memref<10000x256xf32, #tpu.memory_space<hbm>> -> memref<80x256xf32, #tpu.memory_space<hbm>>
          tpu.enqueue_dma source(%dma_start3A_64 : memref<80x256xf32, #tpu.memory_space<hbm>>) target(%arg6 : memref<80x256xf32, #tpu.memory_space<vmem>>) target_semaphore(%run_scoped3A : memref<!tpu.dma_semaphore, #tpu.memory_space<semaphore_mem>>)
          %dma_wait3A = arith.constant 0 : i32
          %dma_wait3A_65 = tpu.memref_slice %arg3[%mul3A_52, %dma_wait3A] : memref<10000x256xf32, #tpu.memory_space<hbm>> -> memref<80x256xf32, #tpu.memory_space<hbm>>
          %dma_wait3A_66 = arith.constant 0 : i32
          %dma_wait3A_67 = tpu.memref_slice %arg3[%mul3A_52, %dma_wait3A_66] : memref<10000x256xf32, #tpu.memory_space<hbm>> -> memref<80x256xf32, #tpu.memory_space<hbm>>
          tpu.wait_dma2 semaphore(%run_scoped3A : memref<!tpu.dma_semaphore, #tpu.memory_space<semaphore_mem>>) src(%dma_wait3A_67 : memref<80x256xf32, #tpu.memory_space<hbm>>) dst(%arg6 : memref<80x256xf32, #tpu.memory_space<vmem>>)
          tpu.yield
        }) : () -> ()
        "tpu.region"() ({
          %run_scoped3A = tpu.sem_alloc : memref<!tpu.dma_semaphore, #tpu.memory_space<semaphore_mem>>
          %dma_start3A = arith.constant 0 : i32
          %dma_start3A_62 = tpu.memref_slice %arg5[%mul3A_52, %dma_start3A] : memref<10000x256xf32, #tpu.memory_space<hbm>> -> memref<80x256xf32, #tpu.memory_space<hbm>>
          %dma_start3A_63 = arith.constant 0 : i32
          %dma_start3A_64 = tpu.memref_slice %arg5[%mul3A_52, %dma_start3A_63] : memref<10000x256xf32, #tpu.memory_space<hbm>> -> memref<80x256xf32, #tpu.memory_space<hbm>>
          tpu.enqueue_dma source(%arg6 : memref<80x256xf32, #tpu.memory_space<vmem>>) target(%dma_start3A_64 : memref<80x256xf32, #tpu.memory_space<hbm>>) target_semaphore(%run_scoped3A : memref<!tpu.dma_semaphore, #tpu.memory_space<semaphore_mem>>)
          %dma_wait3A = arith.constant 0 : i32
          %dma_wait3A_65 = tpu.memref_slice %arg5[%mul3A_52, %dma_wait3A] : memref<10000x256xf32, #tpu.memory_space<hbm>> -> memref<80x256xf32, #tpu.memory_space<hbm>>
          %dma_wait3A_66 = arith.constant 0 : i32
          %dma_wait3A_67 = tpu.memref_slice %arg5[%mul3A_52, %dma_wait3A_66] : memref<10000x256xf32, #tpu.memory_space<hbm>> -> memref<80x256xf32, #tpu.memory_space<hbm>>
          tpu.wait_dma2 semaphore(%run_scoped3A : memref<!tpu.dma_semaphore, #tpu.memory_space<semaphore_mem>>) src(%arg6 : memref<80x256xf32, #tpu.memory_space<vmem>>) dst(%dma_wait3A_67 : memref<80x256xf32, #tpu.memory_space<hbm>>)
          tpu.yield
        }) : () -> ()
      } else {
      }
    } else {
    }
    %add3A_24 = arith.constant 64 : i32
    %add3A_25 = arith.addi %arg1, %add3A_24 : i32
    %lt3A_26 = arith.constant 125 : i32
    %lt3A_27 = arith.cmpi slt, %add3A_25, %lt3A_26 : i32
    %convert_element_type3A_28 = arith.extui %lt3A_27 : i1 to i32
    %cond3A_29 = arith.constant 0 : i32
    %cond3A_30 = arith.cmpi ne, %convert_element_type3A_28, %cond3A_29 : i32
    scf.if %cond3A_30 {
      %mul3A = arith.constant 80 : i32
      %mul3A_52 = arith.muli %add3A_25, %mul3A : i32
      %eq3A = arith.constant 0 : i32
      %eq3A_53 = arith.cmpi eq, %arg0, %eq3A : i32
      %convert_element_type3A_54 = arith.extui %eq3A_53 : i1 to i32
      %cond3A_55 = arith.constant 0 : i32
      %cond3A_56 = arith.cmpi ne, %convert_element_type3A_54, %cond3A_55 : i32
      scf.if %cond3A_56 {
        "tpu.region"() ({
          %run_scoped3A = tpu.sem_alloc : memref<!tpu.dma_semaphore, #tpu.memory_space<semaphore_mem>>
          %dma_start3A = arith.constant 0 : i32
          %dma_start3A_62 = tpu.memref_slice %arg2[%mul3A_52, %dma_start3A] : memref<10000x256xf32, #tpu.memory_space<hbm>> -> memref<80x256xf32, #tpu.memory_space<hbm>>
          %dma_start3A_63 = arith.constant 0 : i32
          %dma_start3A_64 = tpu.memref_slice %arg2[%mul3A_52, %dma_start3A_63] : memref<10000x256xf32, #tpu.memory_space<hbm>> -> memref<80x256xf32, #tpu.memory_space<hbm>>
          tpu.enqueue_dma source(%dma_start3A_64 : memref<80x256xf32, #tpu.memory_space<hbm>>) target(%arg6 : memref<80x256xf32, #tpu.memory_space<vmem>>) target_semaphore(%run_scoped3A : memref<!tpu.dma_semaphore, #tpu.memory_space<semaphore_mem>>)
          %dma_wait3A = arith.constant 0 : i32
          %dma_wait3A_65 = tpu.memref_slice %arg2[%mul3A_52, %dma_wait3A] : memref<10000x256xf32, #tpu.memory_space<hbm>> -> memref<80x256xf32, #tpu.memory_space<hbm>>
          %dma_wait3A_66 = arith.constant 0 : i32
          %dma_wait3A_67 = tpu.memref_slice %arg2[%mul3A_52, %dma_wait3A_66] : memref<10000x256xf32, #tpu.memory_space<hbm>> -> memref<80x256xf32, #tpu.memory_space<hbm>>
          tpu.wait_dma2 semaphore(%run_scoped3A : memref<!tpu.dma_semaphore, #tpu.memory_space<semaphore_mem>>) src(%dma_wait3A_67 : memref<80x256xf32, #tpu.memory_space<hbm>>) dst(%arg6 : memref<80x256xf32, #tpu.memory_space<vmem>>)
          tpu.yield
        }) : () -> ()
        "tpu.region"() ({
          %run_scoped3A = tpu.sem_alloc : memref<!tpu.dma_semaphore, #tpu.memory_space<semaphore_mem>>
          %dma_start3A = arith.constant 0 : i32
          %dma_start3A_62 = tpu.memref_slice %arg4[%mul3A_52, %dma_start3A] : memref<10000x256xf32, #tpu.memory_space<hbm>> -> memref<80x256xf32, #tpu.memory_space<hbm>>
          %dma_start3A_63 = arith.constant 0 : i32
          %dma_start3A_64 = tpu.memref_slice %arg4[%mul3A_52, %dma_start3A_63] : memref<10000x256xf32, #tpu.memory_space<hbm>> -> memref<80x256xf32, #tpu.memory_space<hbm>>
          tpu.enqueue_dma source(%arg6 : memref<80x256xf32, #tpu.memory_space<vmem>>) target(%dma_start3A_64 : memref<80x256xf32, #tpu.memory_space<hbm>>) target_semaphore(%run_scoped3A : memref<!tpu.dma_semaphore, #tpu.memory_space<semaphore_mem>>)
          %dma_wait3A = arith.constant 0 : i32
          %dma_wait3A_65 = tpu.memref_slice %arg4[%mul3A_52, %dma_wait3A] : memref<10000x256xf32, #tpu.memory_space<hbm>> -> memref<80x256xf32, #tpu.memory_space<hbm>>
          %dma_wait3A_66 = arith.constant 0 : i32
          %dma_wait3A_67 = tpu.memref_slice %arg4[%mul3A_52, %dma_wait3A_66] : memref<10000x256xf32, #tpu.memory_space<hbm>> -> memref<80x256xf32, #tpu.memory_space<hbm>>
          tpu.wait_dma2 semaphore(%run_scoped3A : memref<!tpu.dma_semaphore, #tpu.memory_space<semaphore_mem>>) src(%arg6 : memref<80x256xf32, #tpu.memory_space<vmem>>) dst(%dma_wait3A_67 : memref<80x256xf32, #tpu.memory_space<hbm>>)
          tpu.yield
        }) : () -> ()
      } else {
      }
      %eq3A_57 = arith.constant 1 : i32
      %eq3A_58 = arith.cmpi eq, %arg0, %eq3A_57 : i32
      %convert_element_type3A_59 = arith.extui %eq3A_58 : i1 to i32
      %cond3A_60 = arith.constant 0 : i32
      %cond3A_61 = arith.cmpi ne, %convert_element_type3A_59, %cond3A_60 : i32
      scf.if %cond3A_61 {
        "tpu.region"() ({
          %run_scoped3A = tpu.sem_alloc : memref<!tpu.dma_semaphore, #tpu.memory_space<semaphore_mem>>
          %dma_start3A = arith.constant 0 : i32
          %dma_start3A_62 = tpu.memref_slice %arg3[%mul3A_52, %dma_start3A] : memref<10000x256xf32, #tpu.memory_space<hbm>> -> memref<80x256xf32, #tpu.memory_space<hbm>>
          %dma_start3A_63 = arith.constant 0 : i32
          %dma_start3A_64 = tpu.memref_slice %arg3[%mul3A_52, %dma_start3A_63] : memref<10000x256xf32, #tpu.memory_space<hbm>> -> memref<80x256xf32, #tpu.memory_space<hbm>>
          tpu.enqueue_dma source(%dma_start3A_64 : memref<80x256xf32, #tpu.memory_space<hbm>>) target(%arg6 : memref<80x256xf32, #tpu.memory_space<vmem>>) target_semaphore(%run_scoped3A : memref<!tpu.dma_semaphore, #tpu.memory_space<semaphore_mem>>)
          %dma_wait3A = arith.constant 0 : i32
          %dma_wait3A_65 = tpu.memref_slice %arg3[%mul3A_52, %dma_wait3A] : memref<10000x256xf32, #tpu.memory_space<hbm>> -> memref<80x256xf32, #tpu.memory_space<hbm>>
          %dma_wait3A_66 = arith.constant 0 : i32
          %dma_wait3A_67 = tpu.memref_slice %arg3[%mul3A_52, %dma_wait3A_66] : memref<10000x256xf32, #tpu.memory_space<hbm>> -> memref<80x256xf32, #tpu.memory_space<hbm>>
          tpu.wait_dma2 semaphore(%run_scoped3A : memref<!tpu.dma_semaphore, #tpu.memory_space<semaphore_mem>>) src(%dma_wait3A_67 : memref<80x256xf32, #tpu.memory_space<hbm>>) dst(%arg6 : memref<80x256xf32, #tpu.memory_space<vmem>>)
          tpu.yield
        }) : () -> ()
        "tpu.region"() ({
          %run_scoped3A = tpu.sem_alloc : memref<!tpu.dma_semaphore, #tpu.memory_space<semaphore_mem>>
          %dma_start3A = arith.constant 0 : i32
          %dma_start3A_62 = tpu.memref_slice %arg5[%mul3A_52, %dma_start3A] : memref<10000x256xf32, #tpu.memory_space<hbm>> -> memref<80x256xf32, #tpu.memory_space<hbm>>
          %dma_start3A_63 = arith.constant 0 : i32
          %dma_start3A_64 = tpu.memref_slice %arg5[%mul3A_52, %dma_start3A_63] : memref<10000x256xf32, #tpu.memory_space<hbm>> -> memref<80x256xf32, #tpu.memory_space<hbm>>
          tpu.enqueue_dma source(%arg6 : memref<80x256xf32, #tpu.memory_space<vmem>>) target(%dma_start3A_64 : memref<80x256xf32, #tpu.memory_space<hbm>>) target_semaphore(%run_scoped3A : memref<!tpu.dma_semaphore, #tpu.memory_space<semaphore_mem>>)
          %dma_wait3A = arith.constant 0 : i32
          %dma_wait3A_65 = tpu.memref_slice %arg5[%mul3A_52, %dma_wait3A] : memref<10000x256xf32, #tpu.memory_space<hbm>> -> memref<80x256xf32, #tpu.memory_space<hbm>>
          %dma_wait3A_66 = arith.constant 0 : i32
          %dma_wait3A_67 = tpu.memref_slice %arg5[%mul3A_52, %dma_wait3A_66] : memref<10000x256xf32, #tpu.memory_space<hbm>> -> memref<80x256xf32, #tpu.memory_space<hbm>>
          tpu.wait_dma2 semaphore(%run_scoped3A : memref<!tpu.dma_semaphore, #tpu.memory_space<semaphore_mem>>) src(%arg6 : memref<80x256xf32, #tpu.memory_space<vmem>>) dst(%dma_wait3A_67 : memref<80x256xf32, #tpu.memory_space<hbm>>)
          tpu.yield
        }) : () -> ()
      } else {
      }
    } else {
    }
    %add3A_31 = arith.constant 80 : i32
    %add3A_32 = arith.addi %arg1, %add3A_31 : i32
    %lt3A_33 = arith.constant 125 : i32
    %lt3A_34 = arith.cmpi slt, %add3A_32, %lt3A_33 : i32
    %convert_element_type3A_35 = arith.extui %lt3A_34 : i1 to i32
    %cond3A_36 = arith.constant 0 : i32
    %cond3A_37 = arith.cmpi ne, %convert_element_type3A_35, %cond3A_36 : i32
    scf.if %cond3A_37 {
      %mul3A = arith.constant 80 : i32
      %mul3A_52 = arith.muli %add3A_32, %mul3A : i32
      %eq3A = arith.constant 0 : i32
      %eq3A_53 = arith.cmpi eq, %arg0, %eq3A : i32
      %convert_element_type3A_54 = arith.extui %eq3A_53 : i1 to i32
      %cond3A_55 = arith.constant 0 : i32
      %cond3A_56 = arith.cmpi ne, %convert_element_type3A_54, %cond3A_55 : i32
      scf.if %cond3A_56 {
        "tpu.region"() ({
          %run_scoped3A = tpu.sem_alloc : memref<!tpu.dma_semaphore, #tpu.memory_space<semaphore_mem>>
          %dma_start3A = arith.constant 0 : i32
          %dma_start3A_62 = tpu.memref_slice %arg2[%mul3A_52, %dma_start3A] : memref<10000x256xf32, #tpu.memory_space<hbm>> -> memref<80x256xf32, #tpu.memory_space<hbm>>
          %dma_start3A_63 = arith.constant 0 : i32
          %dma_start3A_64 = tpu.memref_slice %arg2[%mul3A_52, %dma_start3A_63] : memref<10000x256xf32, #tpu.memory_space<hbm>> -> memref<80x256xf32, #tpu.memory_space<hbm>>
          tpu.enqueue_dma source(%dma_start3A_64 : memref<80x256xf32, #tpu.memory_space<hbm>>) target(%arg6 : memref<80x256xf32, #tpu.memory_space<vmem>>) target_semaphore(%run_scoped3A : memref<!tpu.dma_semaphore, #tpu.memory_space<semaphore_mem>>)
          %dma_wait3A = arith.constant 0 : i32
          %dma_wait3A_65 = tpu.memref_slice %arg2[%mul3A_52, %dma_wait3A] : memref<10000x256xf32, #tpu.memory_space<hbm>> -> memref<80x256xf32, #tpu.memory_space<hbm>>
          %dma_wait3A_66 = arith.constant 0 : i32
          %dma_wait3A_67 = tpu.memref_slice %arg2[%mul3A_52, %dma_wait3A_66] : memref<10000x256xf32, #tpu.memory_space<hbm>> -> memref<80x256xf32, #tpu.memory_space<hbm>>
          tpu.wait_dma2 semaphore(%run_scoped3A : memref<!tpu.dma_semaphore, #tpu.memory_space<semaphore_mem>>) src(%dma_wait3A_67 : memref<80x256xf32, #tpu.memory_space<hbm>>) dst(%arg6 : memref<80x256xf32, #tpu.memory_space<vmem>>)
          tpu.yield
        }) : () -> ()
        "tpu.region"() ({
          %run_scoped3A = tpu.sem_alloc : memref<!tpu.dma_semaphore, #tpu.memory_space<semaphore_mem>>
          %dma_start3A = arith.constant 0 : i32
          %dma_start3A_62 = tpu.memref_slice %arg4[%mul3A_52, %dma_start3A] : memref<10000x256xf32, #tpu.memory_space<hbm>> -> memref<80x256xf32, #tpu.memory_space<hbm>>
          %dma_start3A_63 = arith.constant 0 : i32
          %dma_start3A_64 = tpu.memref_slice %arg4[%mul3A_52, %dma_start3A_63] : memref<10000x256xf32, #tpu.memory_space<hbm>> -> memref<80x256xf32, #tpu.memory_space<hbm>>
          tpu.enqueue_dma source(%arg6 : memref<80x256xf32, #tpu.memory_space<vmem>>) target(%dma_start3A_64 : memref<80x256xf32, #tpu.memory_space<hbm>>) target_semaphore(%run_scoped3A : memref<!tpu.dma_semaphore, #tpu.memory_space<semaphore_mem>>)
          %dma_wait3A = arith.constant 0 : i32
          %dma_wait3A_65 = tpu.memref_slice %arg4[%mul3A_52, %dma_wait3A] : memref<10000x256xf32, #tpu.memory_space<hbm>> -> memref<80x256xf32, #tpu.memory_space<hbm>>
          %dma_wait3A_66 = arith.constant 0 : i32
          %dma_wait3A_67 = tpu.memref_slice %arg4[%mul3A_52, %dma_wait3A_66] : memref<10000x256xf32, #tpu.memory_space<hbm>> -> memref<80x256xf32, #tpu.memory_space<hbm>>
          tpu.wait_dma2 semaphore(%run_scoped3A : memref<!tpu.dma_semaphore, #tpu.memory_space<semaphore_mem>>) src(%arg6 : memref<80x256xf32, #tpu.memory_space<vmem>>) dst(%dma_wait3A_67 : memref<80x256xf32, #tpu.memory_space<hbm>>)
          tpu.yield
        }) : () -> ()
      } else {
      }
      %eq3A_57 = arith.constant 1 : i32
      %eq3A_58 = arith.cmpi eq, %arg0, %eq3A_57 : i32
      %convert_element_type3A_59 = arith.extui %eq3A_58 : i1 to i32
      %cond3A_60 = arith.constant 0 : i32
      %cond3A_61 = arith.cmpi ne, %convert_element_type3A_59, %cond3A_60 : i32
      scf.if %cond3A_61 {
        "tpu.region"() ({
          %run_scoped3A = tpu.sem_alloc : memref<!tpu.dma_semaphore, #tpu.memory_space<semaphore_mem>>
          %dma_start3A = arith.constant 0 : i32
          %dma_start3A_62 = tpu.memref_slice %arg3[%mul3A_52, %dma_start3A] : memref<10000x256xf32, #tpu.memory_space<hbm>> -> memref<80x256xf32, #tpu.memory_space<hbm>>
          %dma_start3A_63 = arith.constant 0 : i32
          %dma_start3A_64 = tpu.memref_slice %arg3[%mul3A_52, %dma_start3A_63] : memref<10000x256xf32, #tpu.memory_space<hbm>> -> memref<80x256xf32, #tpu.memory_space<hbm>>
          tpu.enqueue_dma source(%dma_start3A_64 : memref<80x256xf32, #tpu.memory_space<hbm>>) target(%arg6 : memref<80x256xf32, #tpu.memory_space<vmem>>) target_semaphore(%run_scoped3A : memref<!tpu.dma_semaphore, #tpu.memory_space<semaphore_mem>>)
          %dma_wait3A = arith.constant 0 : i32
          %dma_wait3A_65 = tpu.memref_slice %arg3[%mul3A_52, %dma_wait3A] : memref<10000x256xf32, #tpu.memory_space<hbm>> -> memref<80x256xf32, #tpu.memory_space<hbm>>
          %dma_wait3A_66 = arith.constant 0 : i32
          %dma_wait3A_67 = tpu.memref_slice %arg3[%mul3A_52, %dma_wait3A_66] : memref<10000x256xf32, #tpu.memory_space<hbm>> -> memref<80x256xf32, #tpu.memory_space<hbm>>
          tpu.wait_dma2 semaphore(%run_scoped3A : memref<!tpu.dma_semaphore, #tpu.memory_space<semaphore_mem>>) src(%dma_wait3A_67 : memref<80x256xf32, #tpu.memory_space<hbm>>) dst(%arg6 : memref<80x256xf32, #tpu.memory_space<vmem>>)
          tpu.yield
        }) : () -> ()
        "tpu.region"() ({
          %run_scoped3A = tpu.sem_alloc : memref<!tpu.dma_semaphore, #tpu.memory_space<semaphore_mem>>
          %dma_start3A = arith.constant 0 : i32
          %dma_start3A_62 = tpu.memref_slice %arg5[%mul3A_52, %dma_start3A] : memref<10000x256xf32, #tpu.memory_space<hbm>> -> memref<80x256xf32, #tpu.memory_space<hbm>>
          %dma_start3A_63 = arith.constant 0 : i32
          %dma_start3A_64 = tpu.memref_slice %arg5[%mul3A_52, %dma_start3A_63] : memref<10000x256xf32, #tpu.memory_space<hbm>> -> memref<80x256xf32, #tpu.memory_space<hbm>>
          tpu.enqueue_dma source(%arg6 : memref<80x256xf32, #tpu.memory_space<vmem>>) target(%dma_start3A_64 : memref<80x256xf32, #tpu.memory_space<hbm>>) target_semaphore(%run_scoped3A : memref<!tpu.dma_semaphore, #tpu.memory_space<semaphore_mem>>)
          %dma_wait3A = arith.constant 0 : i32
          %dma_wait3A_65 = tpu.memref_slice %arg5[%mul3A_52, %dma_wait3A] : memref<10000x256xf32, #tpu.memory_space<hbm>> -> memref<80x256xf32, #tpu.memory_space<hbm>>
          %dma_wait3A_66 = arith.constant 0 : i32
          %dma_wait3A_67 = tpu.memref_slice %arg5[%mul3A_52, %dma_wait3A_66] : memref<10000x256xf32, #tpu.memory_space<hbm>> -> memref<80x256xf32, #tpu.memory_space<hbm>>
          tpu.wait_dma2 semaphore(%run_scoped3A : memref<!tpu.dma_semaphore, #tpu.memory_space<semaphore_mem>>) src(%arg6 : memref<80x256xf32, #tpu.memory_space<vmem>>) dst(%dma_wait3A_67 : memref<80x256xf32, #tpu.memory_space<hbm>>)
          tpu.yield
        }) : () -> ()
      } else {
      }
    } else {
    }
    %add3A_38 = arith.constant 96 : i32
    %add3A_39 = arith.addi %arg1, %add3A_38 : i32
    %lt3A_40 = arith.constant 125 : i32
    %lt3A_41 = arith.cmpi slt, %add3A_39, %lt3A_40 : i32
    %convert_element_type3A_42 = arith.extui %lt3A_41 : i1 to i32
    %cond3A_43 = arith.constant 0 : i32
    %cond3A_44 = arith.cmpi ne, %convert_element_type3A_42, %cond3A_43 : i32
    scf.if %cond3A_44 {
      %mul3A = arith.constant 80 : i32
      %mul3A_52 = arith.muli %add3A_39, %mul3A : i32
      %eq3A = arith.constant 0 : i32
      %eq3A_53 = arith.cmpi eq, %arg0, %eq3A : i32
      %convert_element_type3A_54 = arith.extui %eq3A_53 : i1 to i32
      %cond3A_55 = arith.constant 0 : i32
      %cond3A_56 = arith.cmpi ne, %convert_element_type3A_54, %cond3A_55 : i32
      scf.if %cond3A_56 {
        "tpu.region"() ({
          %run_scoped3A = tpu.sem_alloc : memref<!tpu.dma_semaphore, #tpu.memory_space<semaphore_mem>>
          %dma_start3A = arith.constant 0 : i32
          %dma_start3A_62 = tpu.memref_slice %arg2[%mul3A_52, %dma_start3A] : memref<10000x256xf32, #tpu.memory_space<hbm>> -> memref<80x256xf32, #tpu.memory_space<hbm>>
          %dma_start3A_63 = arith.constant 0 : i32
          %dma_start3A_64 = tpu.memref_slice %arg2[%mul3A_52, %dma_start3A_63] : memref<10000x256xf32, #tpu.memory_space<hbm>> -> memref<80x256xf32, #tpu.memory_space<hbm>>
          tpu.enqueue_dma source(%dma_start3A_64 : memref<80x256xf32, #tpu.memory_space<hbm>>) target(%arg6 : memref<80x256xf32, #tpu.memory_space<vmem>>) target_semaphore(%run_scoped3A : memref<!tpu.dma_semaphore, #tpu.memory_space<semaphore_mem>>)
          %dma_wait3A = arith.constant 0 : i32
          %dma_wait3A_65 = tpu.memref_slice %arg2[%mul3A_52, %dma_wait3A] : memref<10000x256xf32, #tpu.memory_space<hbm>> -> memref<80x256xf32, #tpu.memory_space<hbm>>
          %dma_wait3A_66 = arith.constant 0 : i32
          %dma_wait3A_67 = tpu.memref_slice %arg2[%mul3A_52, %dma_wait3A_66] : memref<10000x256xf32, #tpu.memory_space<hbm>> -> memref<80x256xf32, #tpu.memory_space<hbm>>
          tpu.wait_dma2 semaphore(%run_scoped3A : memref<!tpu.dma_semaphore, #tpu.memory_space<semaphore_mem>>) src(%dma_wait3A_67 : memref<80x256xf32, #tpu.memory_space<hbm>>) dst(%arg6 : memref<80x256xf32, #tpu.memory_space<vmem>>)
          tpu.yield
        }) : () -> ()
        "tpu.region"() ({
          %run_scoped3A = tpu.sem_alloc : memref<!tpu.dma_semaphore, #tpu.memory_space<semaphore_mem>>
          %dma_start3A = arith.constant 0 : i32
          %dma_start3A_62 = tpu.memref_slice %arg4[%mul3A_52, %dma_start3A] : memref<10000x256xf32, #tpu.memory_space<hbm>> -> memref<80x256xf32, #tpu.memory_space<hbm>>
          %dma_start3A_63 = arith.constant 0 : i32
          %dma_start3A_64 = tpu.memref_slice %arg4[%mul3A_52, %dma_start3A_63] : memref<10000x256xf32, #tpu.memory_space<hbm>> -> memref<80x256xf32, #tpu.memory_space<hbm>>
          tpu.enqueue_dma source(%arg6 : memref<80x256xf32, #tpu.memory_space<vmem>>) target(%dma_start3A_64 : memref<80x256xf32, #tpu.memory_space<hbm>>) target_semaphore(%run_scoped3A : memref<!tpu.dma_semaphore, #tpu.memory_space<semaphore_mem>>)
          %dma_wait3A = arith.constant 0 : i32
          %dma_wait3A_65 = tpu.memref_slice %arg4[%mul3A_52, %dma_wait3A] : memref<10000x256xf32, #tpu.memory_space<hbm>> -> memref<80x256xf32, #tpu.memory_space<hbm>>
          %dma_wait3A_66 = arith.constant 0 : i32
          %dma_wait3A_67 = tpu.memref_slice %arg4[%mul3A_52, %dma_wait3A_66] : memref<10000x256xf32, #tpu.memory_space<hbm>> -> memref<80x256xf32, #tpu.memory_space<hbm>>
          tpu.wait_dma2 semaphore(%run_scoped3A : memref<!tpu.dma_semaphore, #tpu.memory_space<semaphore_mem>>) src(%arg6 : memref<80x256xf32, #tpu.memory_space<vmem>>) dst(%dma_wait3A_67 : memref<80x256xf32, #tpu.memory_space<hbm>>)
          tpu.yield
        }) : () -> ()
      } else {
      }
      %eq3A_57 = arith.constant 1 : i32
      %eq3A_58 = arith.cmpi eq, %arg0, %eq3A_57 : i32
      %convert_element_type3A_59 = arith.extui %eq3A_58 : i1 to i32
      %cond3A_60 = arith.constant 0 : i32
      %cond3A_61 = arith.cmpi ne, %convert_element_type3A_59, %cond3A_60 : i32
      scf.if %cond3A_61 {
        "tpu.region"() ({
          %run_scoped3A = tpu.sem_alloc : memref<!tpu.dma_semaphore, #tpu.memory_space<semaphore_mem>>
          %dma_start3A = arith.constant 0 : i32
          %dma_start3A_62 = tpu.memref_slice %arg3[%mul3A_52, %dma_start3A] : memref<10000x256xf32, #tpu.memory_space<hbm>> -> memref<80x256xf32, #tpu.memory_space<hbm>>
          %dma_start3A_63 = arith.constant 0 : i32
          %dma_start3A_64 = tpu.memref_slice %arg3[%mul3A_52, %dma_start3A_63] : memref<10000x256xf32, #tpu.memory_space<hbm>> -> memref<80x256xf32, #tpu.memory_space<hbm>>
          tpu.enqueue_dma source(%dma_start3A_64 : memref<80x256xf32, #tpu.memory_space<hbm>>) target(%arg6 : memref<80x256xf32, #tpu.memory_space<vmem>>) target_semaphore(%run_scoped3A : memref<!tpu.dma_semaphore, #tpu.memory_space<semaphore_mem>>)
          %dma_wait3A = arith.constant 0 : i32
          %dma_wait3A_65 = tpu.memref_slice %arg3[%mul3A_52, %dma_wait3A] : memref<10000x256xf32, #tpu.memory_space<hbm>> -> memref<80x256xf32, #tpu.memory_space<hbm>>
          %dma_wait3A_66 = arith.constant 0 : i32
          %dma_wait3A_67 = tpu.memref_slice %arg3[%mul3A_52, %dma_wait3A_66] : memref<10000x256xf32, #tpu.memory_space<hbm>> -> memref<80x256xf32, #tpu.memory_space<hbm>>
          tpu.wait_dma2 semaphore(%run_scoped3A : memref<!tpu.dma_semaphore, #tpu.memory_space<semaphore_mem>>) src(%dma_wait3A_67 : memref<80x256xf32, #tpu.memory_space<hbm>>) dst(%arg6 : memref<80x256xf32, #tpu.memory_space<vmem>>)
          tpu.yield
        }) : () -> ()
        "tpu.region"() ({
          %run_scoped3A = tpu.sem_alloc : memref<!tpu.dma_semaphore, #tpu.memory_space<semaphore_mem>>
          %dma_start3A = arith.constant 0 : i32
          %dma_start3A_62 = tpu.memref_slice %arg5[%mul3A_52, %dma_start3A] : memref<10000x256xf32, #tpu.memory_space<hbm>> -> memref<80x256xf32, #tpu.memory_space<hbm>>
          %dma_start3A_63 = arith.constant 0 : i32
          %dma_start3A_64 = tpu.memref_slice %arg5[%mul3A_52, %dma_start3A_63] : memref<10000x256xf32, #tpu.memory_space<hbm>> -> memref<80x256xf32, #tpu.memory_space<hbm>>
          tpu.enqueue_dma source(%arg6 : memref<80x256xf32, #tpu.memory_space<vmem>>) target(%dma_start3A_64 : memref<80x256xf32, #tpu.memory_space<hbm>>) target_semaphore(%run_scoped3A : memref<!tpu.dma_semaphore, #tpu.memory_space<semaphore_mem>>)
          %dma_wait3A = arith.constant 0 : i32
          %dma_wait3A_65 = tpu.memref_slice %arg5[%mul3A_52, %dma_wait3A] : memref<10000x256xf32, #tpu.memory_space<hbm>> -> memref<80x256xf32, #tpu.memory_space<hbm>>
          %dma_wait3A_66 = arith.constant 0 : i32
          %dma_wait3A_67 = tpu.memref_slice %arg5[%mul3A_52, %dma_wait3A_66] : memref<10000x256xf32, #tpu.memory_space<hbm>> -> memref<80x256xf32, #tpu.memory_space<hbm>>
          tpu.wait_dma2 semaphore(%run_scoped3A : memref<!tpu.dma_semaphore, #tpu.memory_space<semaphore_mem>>) src(%arg6 : memref<80x256xf32, #tpu.memory_space<vmem>>) dst(%dma_wait3A_67 : memref<80x256xf32, #tpu.memory_space<hbm>>)
          tpu.yield
        }) : () -> ()
      } else {
      }
    } else {
    }
    %add3A_45 = arith.constant 112 : i32
    %add3A_46 = arith.addi %arg1, %add3A_45 : i32
    %lt3A_47 = arith.constant 125 : i32
    %lt3A_48 = arith.cmpi slt, %add3A_46, %lt3A_47 : i32
    %convert_element_type3A_49 = arith.extui %lt3A_48 : i1 to i32
    %cond3A_50 = arith.constant 0 : i32
    %cond3A_51 = arith.cmpi ne, %convert_element_type3A_49, %cond3A_50 : i32
    scf.if %cond3A_51 {
      %mul3A = arith.constant 80 : i32
      %mul3A_52 = arith.muli %add3A_46, %mul3A : i32
      %eq3A = arith.constant 0 : i32
      %eq3A_53 = arith.cmpi eq, %arg0, %eq3A : i32
      %convert_element_type3A_54 = arith.extui %eq3A_53 : i1 to i32
      %cond3A_55 = arith.constant 0 : i32
      %cond3A_56 = arith.cmpi ne, %convert_element_type3A_54, %cond3A_55 : i32
      scf.if %cond3A_56 {
        "tpu.region"() ({
          %run_scoped3A = tpu.sem_alloc : memref<!tpu.dma_semaphore, #tpu.memory_space<semaphore_mem>>
          %dma_start3A = arith.constant 0 : i32
          %dma_start3A_62 = tpu.memref_slice %arg2[%mul3A_52, %dma_start3A] : memref<10000x256xf32, #tpu.memory_space<hbm>> -> memref<80x256xf32, #tpu.memory_space<hbm>>
          %dma_start3A_63 = arith.constant 0 : i32
          %dma_start3A_64 = tpu.memref_slice %arg2[%mul3A_52, %dma_start3A_63] : memref<10000x256xf32, #tpu.memory_space<hbm>> -> memref<80x256xf32, #tpu.memory_space<hbm>>
          tpu.enqueue_dma source(%dma_start3A_64 : memref<80x256xf32, #tpu.memory_space<hbm>>) target(%arg6 : memref<80x256xf32, #tpu.memory_space<vmem>>) target_semaphore(%run_scoped3A : memref<!tpu.dma_semaphore, #tpu.memory_space<semaphore_mem>>)
          %dma_wait3A = arith.constant 0 : i32
          %dma_wait3A_65 = tpu.memref_slice %arg2[%mul3A_52, %dma_wait3A] : memref<10000x256xf32, #tpu.memory_space<hbm>> -> memref<80x256xf32, #tpu.memory_space<hbm>>
          %dma_wait3A_66 = arith.constant 0 : i32
          %dma_wait3A_67 = tpu.memref_slice %arg2[%mul3A_52, %dma_wait3A_66] : memref<10000x256xf32, #tpu.memory_space<hbm>> -> memref<80x256xf32, #tpu.memory_space<hbm>>
          tpu.wait_dma2 semaphore(%run_scoped3A : memref<!tpu.dma_semaphore, #tpu.memory_space<semaphore_mem>>) src(%dma_wait3A_67 : memref<80x256xf32, #tpu.memory_space<hbm>>) dst(%arg6 : memref<80x256xf32, #tpu.memory_space<vmem>>)
          tpu.yield
        }) : () -> ()
        "tpu.region"() ({
          %run_scoped3A = tpu.sem_alloc : memref<!tpu.dma_semaphore, #tpu.memory_space<semaphore_mem>>
          %dma_start3A = arith.constant 0 : i32
          %dma_start3A_62 = tpu.memref_slice %arg4[%mul3A_52, %dma_start3A] : memref<10000x256xf32, #tpu.memory_space<hbm>> -> memref<80x256xf32, #tpu.memory_space<hbm>>
          %dma_start3A_63 = arith.constant 0 : i32
          %dma_start3A_64 = tpu.memref_slice %arg4[%mul3A_52, %dma_start3A_63] : memref<10000x256xf32, #tpu.memory_space<hbm>> -> memref<80x256xf32, #tpu.memory_space<hbm>>
          tpu.enqueue_dma source(%arg6 : memref<80x256xf32, #tpu.memory_space<vmem>>) target(%dma_start3A_64 : memref<80x256xf32, #tpu.memory_space<hbm>>) target_semaphore(%run_scoped3A : memref<!tpu.dma_semaphore, #tpu.memory_space<semaphore_mem>>)
          %dma_wait3A = arith.constant 0 : i32
          %dma_wait3A_65 = tpu.memref_slice %arg4[%mul3A_52, %dma_wait3A] : memref<10000x256xf32, #tpu.memory_space<hbm>> -> memref<80x256xf32, #tpu.memory_space<hbm>>
          %dma_wait3A_66 = arith.constant 0 : i32
          %dma_wait3A_67 = tpu.memref_slice %arg4[%mul3A_52, %dma_wait3A_66] : memref<10000x256xf32, #tpu.memory_space<hbm>> -> memref<80x256xf32, #tpu.memory_space<hbm>>
          tpu.wait_dma2 semaphore(%run_scoped3A : memref<!tpu.dma_semaphore, #tpu.memory_space<semaphore_mem>>) src(%arg6 : memref<80x256xf32, #tpu.memory_space<vmem>>) dst(%dma_wait3A_67 : memref<80x256xf32, #tpu.memory_space<hbm>>)
          tpu.yield
        }) : () -> ()
      } else {
      }
      %eq3A_57 = arith.constant 1 : i32
      %eq3A_58 = arith.cmpi eq, %arg0, %eq3A_57 : i32
      %convert_element_type3A_59 = arith.extui %eq3A_58 : i1 to i32
      %cond3A_60 = arith.constant 0 : i32
      %cond3A_61 = arith.cmpi ne, %convert_element_type3A_59, %cond3A_60 : i32
      scf.if %cond3A_61 {
        "tpu.region"() ({
          %run_scoped3A = tpu.sem_alloc : memref<!tpu.dma_semaphore, #tpu.memory_space<semaphore_mem>>
          %dma_start3A = arith.constant 0 : i32
          %dma_start3A_62 = tpu.memref_slice %arg3[%mul3A_52, %dma_start3A] : memref<10000x256xf32, #tpu.memory_space<hbm>> -> memref<80x256xf32, #tpu.memory_space<hbm>>
          %dma_start3A_63 = arith.constant 0 : i32
          %dma_start3A_64 = tpu.memref_slice %arg3[%mul3A_52, %dma_start3A_63] : memref<10000x256xf32, #tpu.memory_space<hbm>> -> memref<80x256xf32, #tpu.memory_space<hbm>>
          tpu.enqueue_dma source(%dma_start3A_64 : memref<80x256xf32, #tpu.memory_space<hbm>>) target(%arg6 : memref<80x256xf32, #tpu.memory_space<vmem>>) target_semaphore(%run_scoped3A : memref<!tpu.dma_semaphore, #tpu.memory_space<semaphore_mem>>)
          %dma_wait3A = arith.constant 0 : i32
          %dma_wait3A_65 = tpu.memref_slice %arg3[%mul3A_52, %dma_wait3A] : memref<10000x256xf32, #tpu.memory_space<hbm>> -> memref<80x256xf32, #tpu.memory_space<hbm>>
          %dma_wait3A_66 = arith.constant 0 : i32
          %dma_wait3A_67 = tpu.memref_slice %arg3[%mul3A_52, %dma_wait3A_66] : memref<10000x256xf32, #tpu.memory_space<hbm>> -> memref<80x256xf32, #tpu.memory_space<hbm>>
          tpu.wait_dma2 semaphore(%run_scoped3A : memref<!tpu.dma_semaphore, #tpu.memory_space<semaphore_mem>>) src(%dma_wait3A_67 : memref<80x256xf32, #tpu.memory_space<hbm>>) dst(%arg6 : memref<80x256xf32, #tpu.memory_space<vmem>>)
          tpu.yield
        }) : () -> ()
        "tpu.region"() ({
          %run_scoped3A = tpu.sem_alloc : memref<!tpu.dma_semaphore, #tpu.memory_space<semaphore_mem>>
          %dma_start3A = arith.constant 0 : i32
          %dma_start3A_62 = tpu.memref_slice %arg5[%mul3A_52, %dma_start3A] : memref<10000x256xf32, #tpu.memory_space<hbm>> -> memref<80x256xf32, #tpu.memory_space<hbm>>
          %dma_start3A_63 = arith.constant 0 : i32
          %dma_start3A_64 = tpu.memref_slice %arg5[%mul3A_52, %dma_start3A_63] : memref<10000x256xf32, #tpu.memory_space<hbm>> -> memref<80x256xf32, #tpu.memory_space<hbm>>
          tpu.enqueue_dma source(%arg6 : memref<80x256xf32, #tpu.memory_space<vmem>>) target(%dma_start3A_64 : memref<80x256xf32, #tpu.memory_space<hbm>>) target_semaphore(%run_scoped3A : memref<!tpu.dma_semaphore, #tpu.memory_space<semaphore_mem>>)
          %dma_wait3A = arith.constant 0 : i32
          %dma_wait3A_65 = tpu.memref_slice %arg5[%mul3A_52, %dma_wait3A] : memref<10000x256xf32, #tpu.memory_space<hbm>> -> memref<80x256xf32, #tpu.memory_space<hbm>>
          %dma_wait3A_66 = arith.constant 0 : i32
          %dma_wait3A_67 = tpu.memref_slice %arg5[%mul3A_52, %dma_wait3A_66] : memref<10000x256xf32, #tpu.memory_space<hbm>> -> memref<80x256xf32, #tpu.memory_space<hbm>>
          tpu.wait_dma2 semaphore(%run_scoped3A : memref<!tpu.dma_semaphore, #tpu.memory_space<semaphore_mem>>) src(%arg6 : memref<80x256xf32, #tpu.memory_space<vmem>>) dst(%dma_wait3A_67 : memref<80x256xf32, #tpu.memory_space<hbm>>)
          tpu.yield
        }) : () -> ()
      } else {
      }
    } else {
    }
    return
  }
}

</mosaic_0001>

<sc_bundles>
// kernel: kernel.3.cloned.1.call-start
scs
__scs_entry_jumppad:
0x0: {  	(pc) =	sbr.rel $0x88, $3  }
0x1: {  	(tag) =	ssettag $0x0;
	lr =	simm.s32 $0x1  }
0x2: {  	[smem:$0x3F9F] =	sst lr;
	_ =	strace $0xD0000000  }
0x3: {  	_ = 	snop  }
0x4: {  	_ = 	snop  }
0x5: {  	_ = 	snop  }
0x6: {  	_ = 	snop  }
0x7: {  	_ = 	snop  }
__scs_overlays_trampoline_lowered:
0x8: {  	[smem:$0x3FAE] =	sst s0  }
0x9: {  	[smem:$0x3FAF] =	sst s1  }
0xa: {  	[smem:$0x3FB0] =	sst s2  }
0xb: {  	[smem:$0x3FB1] =	sst s3  }
0xc: {  	[smem:$0x3FB2] =	sst s4  }
0xd: {  	[smem:$0x3FB3] =	sst s5  }
0xe: {  	[smem:$0x3FB4] =	sst s6  }
0xf: {  	[smem:$0x3FB5] =	sst s7  }
0x10: {  	[smem:$0x3FB6] =	sst s8  }
0x11: {  	[smem:$0x3FB7] =	sst s9;
	s0 =	simm.s32 @!p0 $0x0  }
0x12: {  	s1 =	sld [smem:$0x3F9D];
	s0 =	simm.s32 @p0 $0x1  }
0x13: {  	[smem:$0x3FB8] =	sst s0;
	s0 =	simm.s32 @!p1 $0x0  }
0x14: {  	s2 =	sld [smem:$0x3F9C];
	s0 =	simm.s32 @p1 $0x1  }
0x15: {  	[smem:$0x3FB9] =	sst s0;
	s0 =	simm.s32 @!p2 $0x0  }
0x16: {  	s3 =	sld [smem:$0x3FDB];
	s0 =	simm.s32 @p2 $0x1  }
0x17: {  	s4 =	simm.s32 $0x1BF5;
	[smem:$0x3FBB] =	sst s0  }
0x18: {  	s0 =	sld [smem:$0x3F9E];
	_ =	swait.ge [sflag:s4], $0x0  }
0x19: {  	s7 =	sld [smem:$0x3F9F]  }
0x1a: {  	s8 =	sadd.s32 $0xFFFFE003, lr  }
0x1b: {  	s9 =	sadd.s32 $0xFFFFFEF7, lr;
	s5 =	simm.s32 $0xFFFFFFFF;
	p2 =	slt.u32 s8, $0xFFFFF086  }
0x1c: {  	p1 =	slt.u32 s9, $0xF7A;
	s5 =	simm.s32 @!p2 $0x0  }
0x1d: {  	s5 =	simm.s32 @p1 $0x1;
	p0 =	seq.s32 s7, s2  }
0x1e: {  	s7 =	smul.u32 @!p0 $0xF7A, s2;
	p2 =	seq.s32 @!p0 s5, $0x0  }
0x1f: {  	s9 =	smul.u32 $0xF7A, s1;
	s8 =	simm.s32 @!p0 $0x1BF5;
	p2 =	por !p2, p0  }
0x20: {  	[sflag:s8] =	ssyncset.s32 @!p0 $0xFFFFF086;
	s6 =	sadd.s32 @!p0 s3, s7;
	s7 =	simm.s32 @!p0 $0x108  }
0x21: {  	s3 =	sadd.s32 s3, s9;
	s6 =	sadd.s32 @!p0 $0x88, s6;
	s7 =	simm.s32 @p2 $0x1082  }
0x22: {  	[simem:s7], [sflag:s8] =	dma.local @!p0 [hbm:s6], $0xF7A  }
0x23: {  	s9 =	sor.u32 $0xD0000000, s2;
	s6 =	simm.s32 $0x108;
	_ =	swait.ge @!p0 [sflag:s8], $0x0  }
0x24: {  	s3 =	sadd.s32 $0x88, s3;
	s6 =	simm.s32 @!p1 $0x1082;
	[sflag:s4] =	ssyncset.s32 $0xFFFFF086  }
0x25: {  	[simem:s6], [sflag:s4] =	dma.local [hbm:s3], $0xF7A  }
0x26: {  	[smem:$0x3F9F] =	sst s1;
	(tag) =	ssettag s2;
	_ =	strace s9  }
0x27: {  	s1 =	sld [smem:$0x3FAF]  }
0x28: {  	s2 =	sld [smem:$0x3FB0]  }
0x29: {  	s4 =	sld [smem:$0x3FB2]  }
0x2a: {  	p0 =	seq.s32 s5, $0x0;
	s5 =	sld [smem:$0x3FB3]  }
0x2b: {  	s6 =	sld [smem:$0x3FB4]  }
0x2c: {  	s7 =	sld [smem:$0x3FB5]  }
0x2d: {  	s3 =	simm.s32 $0x108;
	s8 =	sld [smem:$0x3FB6]  }
0x2e: {  	s3 =	simm.s32 @!p0 $0x1082;
	s9 =	sld [smem:$0x3FB7]  }
0x2f: {  	lr =	sadd.s32 s0, s3;
	s0 =	sld [smem:$0x3FAE]  }
0x30: {  	s3 =	sld [smem:$0x3FB1]  }
0x31: {  	[smem:$0x3FBA] =	sst s10  }
0x32: {  	s10 =	sld [smem:$0x3FB8];
	_ =	sdelay $0x3  }
0x33: {  	p0 =	seq.s32 s10, $0x1;
	s10 =	sld [smem:$0x3FBA];
	_ =	sdelay $0x3  }
0x34: {  	[smem:$0x3FBA] =	sst s10  }
0x35: {  	s10 =	sld [smem:$0x3FB9];
	_ =	sdelay $0x3  }
0x36: {  	p1 =	seq.s32 s10, $0x1;
	s10 =	sld [smem:$0x3FBA];
	_ =	sdelay $0x3  }
0x37: {  	[smem:$0x3FBA] =	sst s10  }
0x38: {  	s10 =	sld [smem:$0x3FBB]  }
0x39: {  	_ = 	snop;
	(pc) =	sbr.ind lr, $3  }
0x3a: {  	_ = 	snop  }
0x3b: {  	_ = 	snop  }
0x3c: {  	p2 =	seq.s32 s10, $0x1;
	s10 =	sld [smem:$0x3FBA]  }
0x3d: {  	_ =	shalt  }
0x3e: {  	_ =	shalt  }
0x3f: {  	_ =	shalt  }
0x40: {  	_ =	shalt  }
0x41: {  	_ =	shalt  }
0x42: {  	_ =	shalt  }
0x43: {  	_ =	shalt  }
0x44: {  	_ =	shalt  }
0x45: {  	_ =	shalt  }
0x46: {  	_ =	shalt  }
0x47: {  	_ =	shalt  }
0x48: {  	_ =	shalt  }
0x49: {  	_ =	shalt  }
0x4a: {  	_ =	shalt  }
0x4b: {  	_ =	shalt  }
0x4c: {  	_ =	shalt  }
0x4d: {  	_ =	shalt  }
0x4e: {  	_ =	shalt  }
0x4f: {  	_ =	shalt  }
0x50: {  	_ =	shalt  }
0x51: {  	_ =	shalt  }
0x52: {  	_ =	shalt  }
0x53: {  	_ =	shalt  }
0x54: {  	_ =	shalt  }
0x55: {  	_ =	shalt  }
0x56: {  	_ =	shalt  }
0x57: {  	_ =	shalt  }
0x58: {  	_ =	shalt  }
0x59: {  	_ =	shalt  }
0x5a: {  	_ =	shalt  }
0x5b: {  	_ =	shalt  }
0x5c: {  	_ =	shalt  }
0x5d: {  	_ =	shalt  }
0x5e: {  	_ =	shalt  }
0x5f: {  	_ =	shalt  }
0x60: {  	_ =	shalt  }
0x61: {  	_ =	shalt  }
0x62: {  	_ =	shalt  }
0x63: {  	_ =	shalt  }
0x64: {  	_ =	shalt  }
0x65: {  	_ =	shalt  }
0x66: {  	_ =	shalt  }
0x67: {  	_ =	shalt  }
0x68: {  	_ =	shalt  }
0x69: {  	_ =	shalt  }
0x6a: {  	_ =	shalt  }
0x6b: {  	_ =	shalt  }
0x6c: {  	_ =	shalt  }
0x6d: {  	_ =	shalt  }
0x6e: {  	_ =	shalt  }
0x6f: {  	_ =	shalt  }
0x70: {  	_ =	shalt  }
0x71: {  	_ =	shalt  }
0x72: {  	_ =	shalt  }
0x73: {  	_ =	shalt  }
0x74: {  	_ =	shalt  }
0x75: {  	_ =	shalt  }
0x76: {  	_ =	shalt  }
0x77: {  	_ =	shalt  }
0x78: {  	_ =	shalt  }
0x79: {  	_ =	shalt  }
0x7a: {  	_ =	shalt  }
0x7b: {  	_ =	shalt  }
0x7c: {  	_ =	shalt  }
0x7d: {  	_ =	shalt  }
0x7e: {  	_ =	shalt  }
0x7f: {  	_ =	shalt  }
0x80: {  	_ =	shalt  }
0x81: {  	_ =	shalt  }
0x82: {  	_ =	shalt  }
0x83: {  	_ =	shalt  }
0x84: {  	_ =	shalt  }
0x85: {  	_ =	shalt  }
0x86: {  	_ =	shalt  }
0x87: {  	_ =	shalt  }
.Lfunc_end0:
.L_simem_size_0:
called_computation_lowered:
.L_overlay_start_0:
0x88: {  	s2 =	sld [smem:$0x3FD9]  }
0x89: {  	s3 =	sld [smem:$0x3FFE];
	_ =	sdelay $0x1  }
0x8a: {  	s1 =	srdreg.scid  }
0x8b: {  	s0 =	sand.u32 $0x1, s1  }
0x8c: {  	s15 =	sshll.u32 s0, $0xA;
	s2 =	sadd.s32 s3, s2  }
0x8d: {  	s2 =	sadd.s32 s2, s15  }
0x8e: {  	[smem:$0x3FC6] =	sst s2  }
0x8f: {  	_ = 	snop  }
0x90: {  	s2 =	sld [smem:$0x3FD0];
	_ =	sdelay $0x1  }
0x91: {  	s16 =	sld [smem:$0x3FC9]  }
0x92: {  	s5 =	simm.s32 $0xA;
	s6 =	simm.s32 $0x10;
	s4 =	sld [smem:$0x3FC8]  }
0x93: {  	[smem:s6], [sflag:s5] =	dma.local [hbm:s2], $0x1  }
0x94: {  	_ =	swait.eq [sflag:s5], $0x1  }
0x95: {  	[sflag:s5] =	ssyncset.done $0x0  }
0x96: {  	s17 =	sld [smem:$0x10];
	[sflag:s5] =	ssyncadd.s32 $0xFFFFFFFF  }
0x97: {  	s18 =	sld [smem:$0x11];
	(tm) =	ssettm $0x1  }
0x98: {  	s19 =	sld [smem:$0x3FFB];
	_ =	sdelay $0x3  }
0x99: {  	_ =	strace s19  }
0x9a: {  	s6 =	sld [smem:$0x3FFC];
	_ =	sdelay $0x3  }
0x9b: {  	_ =	strace s6  }
0x9c: {  	s6 =	sld [smem:$0x3FFD];
	_ =	sdelay $0x3  }
0x9d: {  	_ =	strace s6  }
0x9e: {  	_ =	strace $0x8FFFFFFF  }
0x9f: {  	s20 =	sld [smem:$0x3FDB];
	_ =	sdelay $0x1  }
0xa0: {  	s7 =	simm.s32 $_scs_section_size  }
0xa1: {  	s8 =	simm.s32 $_size__tile_overlayer_lowered;
	s9 =	simm.s32 $_tile_overlayer_lowered  }
0xa2: {  	s23 =	simm.s32 $0x1BFF;
	s22 =	sshll.u32 s9, $0x1;
	s6 =	sadd.s32 s7, s20  }
0xa3: {  	s10 =	simm.s32 $0x0;
	s21 =	sshll.u32 s8, $0x1;
	s8 =	sadd.s32 s22, s6  }
0xa4: {  	[timem:s10], [sflag:s23] =	dma.local [hbm:s8], s21  }
0xa5: {  	_ =	swait.ge [sflag:s23], s21  }
0xa6: {  	s7 =	ssub.s32 $0x0, s21;
	[sflag:s23] =	ssyncset.done $0x0  }
0xa7: {  	[sflag:s23] =	ssyncadd.s32 s7;
	_ =	sdelay $0x1  }
0xa8: {  	s24 =	simm.s32 $0x1B8B  }
0xa9: {  	_ =	swait.ge [sflag:s24], $0x1  }
0xaa: {  	[sflag:s24] =	ssyncset.done $0x0  }
0xab: {  	s25 =	simm.s32 $0x1B8E;
	[sflag:s24] =	ssyncadd.s32 $0xFFFFFFFF  }
0xac: {  	s26 =	simm.s32 $execute0_lowered;
	[smem:$0x3FD2] =	sst s25  }
0xad: {  	s7 =	sshll.u32 s26, $0x1;
	_ =	strace $0x80000046;
	[dreg:$0x1] =	wrdreg $0xFFFFFFFF  }
0xae: {  	s28 =	simm.s32 $_size_execute0_lowered;
	s6 =	sadd.s32 s6, s7;
	[dreg:$0x0] =	wrdreg $0x0  }
0xaf: {  	s7 =	sshll.u32 s28, $0x1;
	[dreg:$0x2] =	wrdreg s6  }
0xb0: {  	[dreg:$0x3] =	wrdreg s7  }
0xb1: {  	[dreg:$0x4] =	wrdreg $0xC0  }
0xb2: {  	_ =	task [dreg:s10], $0x5FFFF  }
0xb3: {  	[dreg:$0x1] =	wrdreg $0xFFFFFFFF  }
0xb4: {  	[dreg:$0x0] =	wrdreg $0x60  }
0xb5: {  	[dreg:$0x2] =	wrdreg s16  }
0xb6: {  	[dreg:$0x3] =	wrdreg s4  }
0xb7: {  	[dreg:$0x4] =	wrdreg s17  }
0xb8: {  	[dreg:$0x5] =	wrdreg s18  }
0xb9: {  	[dreg:$0x6] =	wrdreg $0x9  }
0xba: {  	_ =	task.clear_ibuf [dreg:s10], $0x7FFFF;
	_ =	strace $0x90000046  }
0xbb: {  	s29 =	simm.s32 $0x9;
	_ =	strace $0x80000048  }
0xbc: {  	_ =	swait.ge [sflag:s29], $0x1  }
0xbd: {  	[sflag:s29] =	ssyncadd.s32 $0xFFFFFFFF  }
0xbe: {  	_ =	strace $0x90000048  }
0xbf: {  	_ =	sfence  }
0xc0: {  	s30 =	sld [smem:$0x0];
	_ =	sdelay $0x2  }
0xc1: {  	s31 =	sshll.u32 s1, $0xD;
	s1 =	sshrl.u32 s1, $0x2  }
0xc2: {  	s3 =	sand.u32 $0x4000, s31;
	s1 =	sadd.s32 s1, s30  }
0xc3: {  	s0 =	sor.u32 s3, s0;
	s1 =	sshll.u32 s1, $0x11  }
0xc4: {  	s0 =	sor.u32 s1, s0  }
0xc5: {  	s0 =	sadd.s32 $0x8F2B, s0  }
0xc6: {  	[sflag:s0] =	ssyncadd.remote.s32 $0x1  }
0xc7: {  	_ =	sfence.sel $0xFFFF  }
0xc8: {  	[dreg:$0x0] =	wrdreg $0xFFFFFFFF;
	(pc) =	sbr.abs _section_cstart, $3  }
0xc9: {  	[dreg:$0x1] =	wrdreg $0xFFFFFFFF  }
0xca: {  	_ =	task.clear_ibuf [dreg:s10], $0x2FFFF;
	_ =	strace $0x9FFFFFFF  }
0xcb: {  	(tm) =	ssettm $0x7FFFFFFF  }
tec
execute0_lowered:
.L_overlay_start_1:
0x0: {  	(tag) =	ssettag $0x1  }
0x1: {  	s24 =	rddreg [dreg:$0x0]  }
0x2: {  	s17 =	rddreg [dreg:$0x1]  }
0x3: {  	s9 =	rddreg [dreg:$0x2]  }
0x4: {  	s4 =	rddreg [dreg:$0x3]  }
0x5: {  	s0 =	srdreg.scid;
	s6 =	simm.s32 $0x0;
	s3 =	stileid.u32  }
0x6: {  	s0 =	sand.u32 $0x1, s0;
	[smem:$0x7FF] =	sst s6;
	s3 =	smul.u32 $0xA00, s3  }
0x7: {  	s1 =	ssub.s32 $0x2, s0;
	_ =	strace $0x80000047;
	p0 =	seq.s32 s0, $0x1  }
0x8: {  	s2 =	sshrl.u32 s1, $0x1;
	s20 =	sadd.s32 s24, s3;
	s21 =	sadd.s32 s9, s3  }
0x9: {  	s22 =	sadd.s32 $0xA000, s3;
	s25 =	sadd.s32 $0x14000, s3;
	s26 =	sadd.s32 $0x1E000, s3  }
0xa: {  	s5 =	sadd.s32 $0x28000, s3;
	s7 =	sadd.s32 $0x32000, s3;
	s8 =	sadd.s32 $0x3C000, s3  }
0xb: {  	s14 =	sadd.s32 $0x46000, s3;
	s15 =	sadd.s32 s17, s3;
	s16 =	sadd.s32 s4, s3  }
0xc: {  	s3 =	smov.u32 s17;
	s1 =	ssub.s32 s1, s2;
	[dreg:$0x5] =	wrdreg s20  }
0xd: {  	[dreg:$0x6] =	wrdreg s21;
	s23 =	sadd.s32 s24, s22;
	s10 =	sadd.s32 s9, s22  }
0xe: {  	s11 =	sadd.s32 s24, s25;
	s12 =	sadd.s32 s9, s25;
	s13 =	sadd.s32 s24, s26  }
0xf: {  	s17 =	sadd.s32 s17, s22;
	s18 =	sadd.s32 s4, s22;
	s19 =	sadd.s32 s3, s25  }
0x10: {  	s20 =	sadd.s32 s4, s25;
	s21 =	sadd.s32 s9, s26;
	s22 =	sadd.s32 s3, s26  }
0x11: {  	s2 =	smov.u32 s24;
	s24 =	sadd.s32 s24, s5;
	s25 =	sadd.s32 s9, s5  }
0x12: {  	s28 =	sadd.s32 s4, s5;
	s30 =	sadd.s32 s9, s7;
	[dreg:$0x8] =	wrdreg s1  }
0x13: {  	s31 =	sadd.s32 s3, s7;
	s0 =	sadd.s32 s4, s7;
	[dreg:$0x7] =	wrdreg s23  }
.Ltmp0:
0x14: {  	s23 =	sadd.s32 s4, s26;
	s26 =	sadd.s32 s3, s5;
	(pc) =	sbr.rel .LBB2_1-.Ltmp0, $4  }
0x15: {  	s29 =	sadd.s32 s2, s7;
	s5 =	smov.u32 s2;
	s1 =	sadd.s32 s9, s8  }
0x16: {  	s2 =	sadd.s32 s3, s8;
	s3 =	sadd.s32 s4, s8;
	s9 =	stileid.u32  }
0x17: {  	s7 =	simm.s32 $0x1;
	s5 =	sadd.s32 s5, s8;
	s8 =	rddreg [dreg:$0x8]  }
0x18: {  	p1 =	sgt.u32 s9, $0xC;
	p2 =	slt.u32 s9, $0xD;
	s4 =	smax.u32 s8, $0x1  }
.LBB2_4:
0x19: {  	s9 =	sadd.s32 s9, s14  }
0x1a: {  	[tilespmem:s6], [sflag:$0x1] =	stream.linear.gather [hbm4b:s9+s6], $0x5000, $0x38;
	[tilespmem:$0x5000] =	vst v63  }
0x1b: {  	_ =	swait.ge [sflag:s7], $0x5000  }
0x1c: {  	[sflag:s7] =	ssyncset.done $0x0  }
0x1d: {  	s8 =	sadd.s32 s8, s14;
	[sflag:s7] =	ssyncadd.s32 $0xFFFFB000  }
0x1e: {  	[hbm4b:s8+s6] =	stream.linear.scatter [tilespmem:s6], [sflag:$0x1], $0x5000, $0x38;
	[tilespmem:$0x5000] =	vst v63  }
0x1f: {  	_ =	swait.ge [sflag:s7], $0x5000  }
0x20: {  	[sflag:s7] =	ssyncset.done $0x0  }
0x21: {  	[sflag:s7] =	ssyncadd.s32 $0xFFFFB000  }
.LBB2_5:
0x22: {  	s4 =	sadd.s32 $0xFFFFFFFF, s4  }
0x23: {  	p3 =	sne.s32 s4, $0x0  }
.Ltmp1:
0x24: {  	_ = 	snop;
	(pc) =	sbr.rel @!p3 .LBB2_6-.Ltmp1, $1  }
0x25: {  	_ =	sdelay $0x3  }
.LBB2_1:
.Ltmp2:
0x26: {  	(pc) =	sbr.rel @!p0 .LBB2_2-.Ltmp2, $1  }
0x27: {  	_ =	sdelay $0x3  }
0x28: {  	[tilespmem:s6], [sflag:$0x1] =	stream.linear.gather [hbm4b:s15+s6], $0x5000, $0x38;
	[tilespmem:$0x5000] =	vst v63  }
0x29: {  	_ =	swait.ge [sflag:s7], $0x5000  }
0x2a: {  	[sflag:s7] =	ssyncset.done $0x0  }
0x2b: {  	[sflag:s7] =	ssyncadd.s32 $0xFFFFB000  }
0x2c: {  	[hbm4b:s16+s6] =	stream.linear.scatter [tilespmem:s6], [sflag:$0x1], $0x5000, $0x38;
	[tilespmem:$0x5000] =	vst v63  }
0x2d: {  	_ =	swait.ge [sflag:s7], $0x5000  }
0x2e: {  	[sflag:s7] =	ssyncset.done $0x0  }
0x2f: {  	[sflag:s7] =	ssyncadd.s32 $0xFFFFB000  }
0x30: {  	[tilespmem:s6], [sflag:$0x1] =	stream.linear.gather [hbm4b:s17+s6], $0x5000, $0x38;
	[tilespmem:$0x5000] =	vst v63  }
0x31: {  	_ =	swait.ge [sflag:s7], $0x5000  }
0x32: {  	[sflag:s7] =	ssyncset.done $0x0  }
0x33: {  	[sflag:s7] =	ssyncadd.s32 $0xFFFFB000  }
0x34: {  	[hbm4b:s18+s6] =	stream.linear.scatter [tilespmem:s6], [sflag:$0x1], $0x5000, $0x38;
	[tilespmem:$0x5000] =	vst v63  }
0x35: {  	_ =	swait.ge [sflag:s7], $0x5000  }
0x36: {  	[sflag:s7] =	ssyncset.done $0x0  }
0x37: {  	[sflag:s7] =	ssyncadd.s32 $0xFFFFB000  }
0x38: {  	[tilespmem:s6], [sflag:$0x1] =	stream.linear.gather [hbm4b:s19+s6], $0x5000, $0x38;
	[tilespmem:$0x5000] =	vst v63  }
0x39: {  	_ =	swait.ge [sflag:s7], $0x5000  }
0x3a: {  	[sflag:s7] =	ssyncset.done $0x0  }
0x3b: {  	[sflag:s7] =	ssyncadd.s32 $0xFFFFB000  }
0x3c: {  	[hbm4b:s20+s6] =	stream.linear.scatter [tilespmem:s6], [sflag:$0x1], $0x5000, $0x38;
	[tilespmem:$0x5000] =	vst v63  }
0x3d: {  	_ =	swait.ge [sflag:s7], $0x5000  }
0x3e: {  	[sflag:s7] =	ssyncset.done $0x0  }
0x3f: {  	[sflag:s7] =	ssyncadd.s32 $0xFFFFB000  }
0x40: {  	[tilespmem:s6], [sflag:$0x1] =	stream.linear.gather [hbm4b:s22+s6], $0x5000, $0x38;
	[tilespmem:$0x5000] =	vst v63  }
0x41: {  	_ =	swait.ge [sflag:s7], $0x5000  }
0x42: {  	[sflag:s7] =	ssyncset.done $0x0  }
0x43: {  	[sflag:s7] =	ssyncadd.s32 $0xFFFFB000  }
0x44: {  	[hbm4b:s23+s6] =	stream.linear.scatter [tilespmem:s6], [sflag:$0x1], $0x5000, $0x38;
	[tilespmem:$0x5000] =	vst v63  }
0x45: {  	_ =	swait.ge [sflag:s7], $0x5000  }
0x46: {  	[sflag:s7] =	ssyncset.done $0x0  }
0x47: {  	[sflag:s7] =	ssyncadd.s32 $0xFFFFB000  }
0x48: {  	[tilespmem:s6], [sflag:$0x1] =	stream.linear.gather [hbm4b:s26+s6], $0x5000, $0x38;
	[tilespmem:$0x5000] =	vst v63  }
0x49: {  	_ =	swait.ge [sflag:s7], $0x5000  }
0x4a: {  	[sflag:s7] =	ssyncset.done $0x0  }
0x4b: {  	[sflag:s7] =	ssyncadd.s32 $0xFFFFB000  }
0x4c: {  	[hbm4b:s28+s6] =	stream.linear.scatter [tilespmem:s6], [sflag:$0x1], $0x5000, $0x38;
	[tilespmem:$0x5000] =	vst v63  }
0x4d: {  	_ =	swait.ge [sflag:s7], $0x5000  }
0x4e: {  	[sflag:s7] =	ssyncset.done $0x0  }
0x4f: {  	[sflag:s7] =	ssyncadd.s32 $0xFFFFB000  }
0x50: {  	[tilespmem:s6], [sflag:$0x1] =	stream.linear.gather [hbm4b:s31+s6], $0x5000, $0x38;
	[tilespmem:$0x5000] =	vst v63  }
0x51: {  	_ =	swait.ge [sflag:s7], $0x5000  }
0x52: {  	[sflag:s7] =	ssyncset.done $0x0  }
0x53: {  	[sflag:s7] =	ssyncadd.s32 $0xFFFFB000  }
0x54: {  	[hbm4b:s0+s6] =	stream.linear.scatter [tilespmem:s6], [sflag:$0x1], $0x5000, $0x38;
	[tilespmem:$0x5000] =	vst v63  }
0x55: {  	_ =	swait.ge [sflag:s7], $0x5000  }
0x56: {  	[sflag:s7] =	ssyncset.done $0x0  }
0x57: {  	[sflag:s7] =	ssyncadd.s32 $0xFFFFB000  }
0x58: {  	[tilespmem:s6], [sflag:$0x1] =	stream.linear.gather [hbm4b:s2+s6], $0x5000, $0x38;
	[tilespmem:$0x5000] =	vst v63  }
0x59: {  	_ =	swait.ge [sflag:s7], $0x5000  }
0x5a: {  	[sflag:s7] =	ssyncset.done $0x0  }
0x5b: {  	[sflag:s7] =	ssyncadd.s32 $0xFFFFB000  }
0x5c: {  	[hbm4b:s3+s6] =	stream.linear.scatter [tilespmem:s6], [sflag:$0x1], $0x5000, $0x38;
	[tilespmem:$0x5000] =	vst v63  }
.Ltmp3:
0x5d: {  	_ =	swait.ge [sflag:s7], $0x5000;
	(pc) =	sbr.rel @p1 .LBB2_5-.Ltmp3, $4  }
.Ltmp4:
0x5e: {  	[sflag:s7] =	ssyncset.done $0x0;
	(pc) =	sbr.rel @!p1 .LBB2_4-.Ltmp4, $4  }
0x5f: {  	[sflag:s7] =	ssyncadd.s32 $0xFFFFB000  }
0x60: {  	s9 =	rddreg [dreg:$0x1]  }
0x61: {  	s8 =	rddreg [dreg:$0x3]  }
0x62: {  	_ = 	snop  }
.LBB2_2:
0x63: {  	s8 =	rddreg [dreg:$0x5]  }
0x64: {  	[tilespmem:s6], [sflag:$0x1] =	stream.linear.gather [hbm4b:s8+s6], $0x5000, $0x38;
	[tilespmem:$0x5000] =	vst v63  }
0x65: {  	_ =	swait.ge [sflag:s7], $0x5000  }
0x66: {  	[sflag:s7] =	ssyncset.done $0x0  }
0x67: {  	s9 =	rddreg [dreg:$0x6];
	[sflag:s7] =	ssyncadd.s32 $0xFFFFB000  }
0x68: {  	[hbm4b:s9+s6] =	stream.linear.scatter [tilespmem:s6], [sflag:$0x1], $0x5000, $0x38;
	[tilespmem:$0x5000] =	vst v63  }
0x69: {  	_ =	swait.ge [sflag:s7], $0x5000  }
0x6a: {  	[sflag:s7] =	ssyncset.done $0x0  }
0x6b: {  	s9 =	rddreg [dreg:$0x7];
	[sflag:s7] =	ssyncadd.s32 $0xFFFFB000  }
0x6c: {  	[tilespmem:s6], [sflag:$0x1] =	stream.linear.gather [hbm4b:s9+s6], $0x5000, $0x38;
	[tilespmem:$0x5000] =	vst v63  }
0x6d: {  	_ =	swait.ge [sflag:s7], $0x5000  }
0x6e: {  	[sflag:s7] =	ssyncset.done $0x0  }
0x6f: {  	[sflag:s7] =	ssyncadd.s32 $0xFFFFB000  }
0x70: {  	[hbm4b:s10+s6] =	stream.linear.scatter [tilespmem:s6], [sflag:$0x1], $0x5000, $0x38;
	[tilespmem:$0x5000] =	vst v63  }
0x71: {  	_ =	swait.ge [sflag:s7], $0x5000  }
0x72: {  	[sflag:s7] =	ssyncset.done $0x0  }
0x73: {  	[sflag:s7] =	ssyncadd.s32 $0xFFFFB000  }
0x74: {  	[tilespmem:s6], [sflag:$0x1] =	stream.linear.gather [hbm4b:s11+s6], $0x5000, $0x38;
	[tilespmem:$0x5000] =	vst v63  }
0x75: {  	_ =	swait.ge [sflag:s7], $0x5000  }
0x76: {  	[sflag:s7] =	ssyncset.done $0x0  }
0x77: {  	[sflag:s7] =	ssyncadd.s32 $0xFFFFB000  }
0x78: {  	[hbm4b:s12+s6] =	stream.linear.scatter [tilespmem:s6], [sflag:$0x1], $0x5000, $0x38;
	[tilespmem:$0x5000] =	vst v63  }
0x79: {  	_ =	swait.ge [sflag:s7], $0x5000  }
0x7a: {  	[sflag:s7] =	ssyncset.done $0x0  }
0x7b: {  	[sflag:s7] =	ssyncadd.s32 $0xFFFFB000  }
0x7c: {  	[tilespmem:s6], [sflag:$0x1] =	stream.linear.gather [hbm4b:s13+s6], $0x5000, $0x38;
	[tilespmem:$0x5000] =	vst v63  }
0x7d: {  	_ =	swait.ge [sflag:s7], $0x5000  }
0x7e: {  	[sflag:s7] =	ssyncset.done $0x0  }
0x7f: {  	[sflag:s7] =	ssyncadd.s32 $0xFFFFB000  }
0x80: {  	[hbm4b:s21+s6] =	stream.linear.scatter [tilespmem:s6], [sflag:$0x1], $0x5000, $0x38;
	[tilespmem:$0x5000] =	vst v63  }
0x81: {  	_ =	swait.ge [sflag:s7], $0x5000  }
0x82: {  	[sflag:s7] =	ssyncset.done $0x0  }
0x83: {  	[sflag:s7] =	ssyncadd.s32 $0xFFFFB000  }
0x84: {  	[tilespmem:s6], [sflag:$0x1] =	stream.linear.gather [hbm4b:s24+s6], $0x5000, $0x38;
	[tilespmem:$0x5000] =	vst v63  }
0x85: {  	_ =	swait.ge [sflag:s7], $0x5000  }
0x86: {  	[sflag:s7] =	ssyncset.done $0x0  }
0x87: {  	[sflag:s7] =	ssyncadd.s32 $0xFFFFB000  }
0x88: {  	[hbm4b:s25+s6] =	stream.linear.scatter [tilespmem:s6], [sflag:$0x1], $0x5000, $0x38;
	[tilespmem:$0x5000] =	vst v63  }
0x89: {  	_ =	swait.ge [sflag:s7], $0x5000  }
0x8a: {  	[sflag:s7] =	ssyncset.done $0x0  }
0x8b: {  	[sflag:s7] =	ssyncadd.s32 $0xFFFFB000  }
0x8c: {  	[tilespmem:s6], [sflag:$0x1] =	stream.linear.gather [hbm4b:s29+s6], $0x5000, $0x38;
	[tilespmem:$0x5000] =	vst v63  }
0x8d: {  	_ =	swait.ge [sflag:s7], $0x5000  }
0x8e: {  	[sflag:s7] =	ssyncset.done $0x0  }
0x8f: {  	[sflag:s7] =	ssyncadd.s32 $0xFFFFB000  }
0x90: {  	[hbm4b:s30+s6] =	stream.linear.scatter [tilespmem:s6], [sflag:$0x1], $0x5000, $0x38;
	[tilespmem:$0x5000] =	vst v63  }
0x91: {  	_ =	swait.ge [sflag:s7], $0x5000  }
0x92: {  	[sflag:s7] =	ssyncset.done $0x0  }
0x93: {  	[sflag:s7] =	ssyncadd.s32 $0xFFFFB000  }
0x94: {  	[tilespmem:s6], [sflag:$0x1] =	stream.linear.gather [hbm4b:s5+s6], $0x5000, $0x38;
	[tilespmem:$0x5000] =	vst v63  }
0x95: {  	_ =	swait.ge [sflag:s7], $0x5000  }
0x96: {  	[sflag:s7] =	ssyncset.done $0x0  }
0x97: {  	[sflag:s7] =	ssyncadd.s32 $0xFFFFB000  }
0x98: {  	[hbm4b:s1+s6] =	stream.linear.scatter [tilespmem:s6], [sflag:$0x1], $0x5000, $0x38;
	[tilespmem:$0x5000] =	vst v63  }
.Ltmp5:
0x99: {  	_ =	swait.ge [sflag:s7], $0x5000;
	(pc) =	sbr.rel @p2 .LBB2_4-.Ltmp5, $4  }
.Ltmp6:
0x9a: {  	[sflag:s7] =	ssyncset.done $0x0;
	(pc) =	sbr.rel @!p2 .LBB2_5-.Ltmp6, $4  }
0x9b: {  	[sflag:s7] =	ssyncadd.s32 $0xFFFFB000  }
0x9c: {  	s9 =	rddreg [dreg:$0x0]  }
0x9d: {  	s8 =	rddreg [dreg:$0x2]  }
0x9e: {  	_ = 	snop  }
.LBB2_6:
0x9f: {  	_ =	sfence.sel $0x180000  }
0xa0: {  	[bflag:$0x0] =	sbarrier.arrive $0xFFFF  }
0xa1: {  	_ =	strace $0x90000047  }
0xa2: {  	s0 =	stileid.u32;
	[bflag:$0x2] =	sbarrier.arrive $0xFFFF  }
0xa3: {  	p0 =	sne.s32 s0, $0x0;
	s0 =	rddreg [dreg:$0x4]  }
0xa4: {  	s0 =	sadd.s32 @!p0 $0x100000, s0  }
0xa5: {  	[sflag:s0] =	ssyncadd.tile.s32 @!p0 $0x1;
	_ =	shalt  }
.Lfunc_end2:
_tile_overlayer_lowered:
.L_overlay_start_2:
0xa6: {  	(tag) =	ssettag $0x2  }
0xa7: {  	s0 =	rddreg [dreg:$0x0];
	s2 =	stileid.u32  }
0xa8: {  	s1 =	rddreg [dreg:$0x1];
	p0 =	sne.s32 s2, $0x0  }
0xa9: {  	s3 =	rddreg [dreg:$0x2];
	[bflag:$0x3] =	sbarrier.arrive $0xFFFF;
	s2 =	simm.s32 @!p0 $0x1C01  }
0xaa: {  	[timem:s3], [sflag:s2] =	dma.local @!p0 [hbm:s0], s1  }
0xab: {  	s0 =	simm.s32 @!p0 $0x1  }
0xac: {  	_ =	swait.ge @!p0 [sflag:s0], s1  }
0xad: {  	s1 =	ssub.s32 @!p0 $0x0, s1;
	[sflag:s0] =	ssyncset.done @!p0 $0x0  }
0xae: {  	[sflag:s0] =	ssyncadd.s32 @!p0 s1  }
0xaf: {  	[bflag:$0x3] =	sbarrier.arrive $0xFFFF  }
0xb0: {  	_ =	shalt  }

</sc_bundles>
